<compile_context>
chip_gen: v7x
topology: tpu7x:2x2x1
jax: 0.10.2.dev20260603
libtpu: 0.0.44.dev20260713+nightly
codegen_flags: <defaults>
</compile_context>

<pallas_src>
import functools

import jax
import jax.numpy as jnp
from jax import lax
from jax.experimental import pallas as pl
from jax.experimental.pallas import tpu as pltpu
from jax.experimental.pallas import tpu_sc as plsc

NUM_CORES = 2
NUM_SUBCORES = 16
NW = NUM_CORES * NUM_SUBCORES
LANES = 16


def _emb_kernel(batch, seq_len, dim):
    s_per_w = seq_len // NW
    mesh = plsc.VectorSubcoreMesh(core_axis_name="c", subcore_axis_name="s")

    @functools.partial(
        pl.kernel,
        mesh=mesh,
        out_type=jax.ShapeDtypeStruct((batch, seq_len, dim), jnp.float32),
        scratch_types=[
            pltpu.VMEM((batch, s_per_w), jnp.int32),
            pltpu.VMEM((s_per_w, dim), jnp.float32),
            pltpu.VMEM((batch, s_per_w, dim), jnp.float32),
            pltpu.SemaphoreType.DMA,
            pltpu.SemaphoreType.DMA,
            pltpu.SemaphoreType.DMA((4,)),
            pltpu.SemaphoreType.DMA,
        ],
    )
    def emb(idx_hbm, table_hbm, pos_hbm, out_hbm, idx_v, pos_v, rows_v,
            sem_p, sem_i, sem_g, sem_o):
        wid = lax.axis_index("s") * NUM_CORES + lax.axis_index("c")
        base = wid * s_per_w
        cp_pos = pltpu.async_copy(pos_hbm.at[pl.ds(base, s_per_w)], pos_v,
                                  sem_p)
        idx_cps = [
            pltpu.async_copy(idx_hbm.at[b, pl.ds(base, s_per_w)], idx_v.at[b],
                             sem_i)
            for b in range(batch)
        ]
        for c in idx_cps:
            c.wait()
        gathers = [
            pltpu.async_copy(table_hbm.at[idx_v.at[b]], rows_v.at[b],
                             sem_g.at[b])
            for b in range(batch)
        ]
        cp_pos.wait()
        outs = []
        for b in range(batch):
            gathers[b].wait()

            def add_row(r, carry, b=b):
                for c in range(dim // LANES):
                    sl = pl.ds(c * LANES, LANES)
                    rows_v[b, r, sl] = rows_v[b, r, sl] + pos_v[r, sl]
                return carry

            lax.fori_loop(0, s_per_w, add_row, 0)
            outs.append(
                pltpu.async_copy(rows_v.at[b],
                                 out_hbm.at[b, pl.ds(base, s_per_w)], sem_o))
        for c in outs:
            c.wait()

    return emb


def kernel(inputs, W_word, P_pos):
    batch, seq_len = inputs.shape
    vocab, dim = W_word.shape
    return _emb_kernel(batch, seq_len, dim)(inputs, W_word, P_pos)

# --- scband reference (transcript-rebuilt; emitter-appended) ---
"""Pipeline reference for scband-position-embedding-fixed-weights-26396869001487 (READ-ONLY COPY).

The authoritative reference and input builder live on the scoring server;
editing this copy changes nothing except your own understanding.
"""

import jax, jax.numpy as jnp
import numpy as np

SEQ_LEN = 2048
VOCAB = 100000
DIM = 128
BATCH = 4

def get_position_encoding(seq_len, d, n=10000):
    pos = np.arange(seq_len, dtype=np.float64)[:, None]
    i = np.arange(d // 2, dtype=np.float64)
    denom = np.power(float(n), 2.0 * i / d)
    P = np.zeros((seq_len, d), dtype=np.float64)
    P[:, 0::2] = np.sin(pos / denom)
    P[:, 1::2] = np.cos(pos / denom)
    return P.astype(np.float32)

def setup_inputs(seed: int = 0) -> dict:
    key = jax.random.key(seed)
    k1, k2 = jax.random.split(key)
    inputs = jax.random.randint(k1, (BATCH, SEQ_LEN), 0, VOCAB, dtype=jnp.int32)
    # trainable word-embedding table (keras Embedding default uniform init approximated)
    W_word = jax.random.uniform(k2, (VOCAB, DIM), dtype=jnp.float32, minval=-0.05, maxval=0.05)
    # fixed sinusoidal position-embedding table
    P_pos = jnp.asarray(get_position_encoding(SEQ_LEN, DIM))
    return {"inputs": inputs, "W_word": W_word, "P_pos": P_pos}

def reference(inputs, W_word, P_pos):
    seq_len = inputs.shape[-1]
    position_indices = jnp.arange(seq_len)
    embedded_words = jnp.take(W_word, inputs, axis=0)
    embedded_indices = jnp.take(P_pos, position_indices, axis=0)
    return embedded_words + embedded_indices

if __name__ == "__main__":
    import jax
    _d = setup_inputs()
    print(jax.jit(kernel)(*tuple(_d.values())))

</pallas_src>

<mosaic_0001>
#map = affine_map<(d0, d1) -> (0, 0)>
#map1 = affine_map<(d0, d1) -> (0, 0, 0)>
module attributes {stable_mosaic.version = 14 : i64} {
  func.func @emb(%arg0: i32, %arg1: i32, %arg2: memref<4x2048xi32, #tpu.memory_space<hbm>>, %arg3: memref<100000x128xf32, #tpu.memory_space<hbm>>, %arg4: memref<2048x128xf32, #tpu.memory_space<hbm>>, %arg5: memref<4x2048x128xf32, #tpu.memory_space<hbm>>, %arg6: memref<4x64xi32, #tpu.memory_space<vmem>>, %arg7: memref<64x128xf32, #tpu.memory_space<vmem>>, %arg8: memref<4x64x128xf32, #tpu.memory_space<vmem>>, %arg9: memref<!tpu.dma_semaphore, #tpu.memory_space<semaphore_mem>>, %arg10: memref<!tpu.dma_semaphore, #tpu.memory_space<semaphore_mem>>, %arg11: memref<4x!tpu.dma_semaphore, #tpu.memory_space<semaphore_mem>>, %arg12: memref<!tpu.dma_semaphore, #tpu.memory_space<semaphore_mem>>) attributes {dimension_semantics = [#tpu.dimension_semantics<core_parallel>, #tpu.dimension_semantics<subcore_parallel>], iteration_bounds = array<i64: 2, 16>, scalar_prefetch = 0 : i64, scratch_operands = 7 : i64, tpu.core_type = #tpu.core_type<sc_vector_subcore>, window_params = [{transform_indices = #map}, {transform_indices = #map}, {transform_indices = #map}, {transform_indices = #map1}]} {
    %mul3A = arith.constant 2 : i32
    %mul3A_0 = arith.muli %arg1, %mul3A : i32
    %add3A = arith.addi %mul3A_0, %arg0 : i32
    %mul3A_1 = arith.constant 64 : i32
    %mul3A_2 = arith.muli %add3A, %mul3A_1 : i32
    %dma_start3A = arith.constant 0 : i32
    %dma_start3A_3 = tpu.memref_slice %arg4[%mul3A_2, %dma_start3A] : memref<2048x128xf32, #tpu.memory_space<hbm>> -> memref<64x128xf32, #tpu.memory_space<hbm>>
    %dma_start3A_4 = arith.constant 0 : i32
    %dma_start3A_5 = tpu.memref_slice %arg4[%mul3A_2, %dma_start3A_4] : memref<2048x128xf32, #tpu.memory_space<hbm>> -> memref<64x128xf32, #tpu.memory_space<hbm>>
    tpu.enqueue_dma source(%dma_start3A_5 : memref<64x128xf32, #tpu.memory_space<hbm>>) target(%arg7 : memref<64x128xf32, #tpu.memory_space<vmem>>) target_semaphore(%arg9 : memref<!tpu.dma_semaphore, #tpu.memory_space<semaphore_mem>>)
    %dma_start3A_6 = arith.constant 0 : i32
    %dma_start3A_7 = arith.constant 0 : i32
    %dma_start3A_8 = arith.constant 0 : i32
    %dma_start3A_9 = tpu.memref_slice %arg6[%dma_start3A_7, %dma_start3A_8] : memref<4x64xi32, #tpu.memory_space<vmem>> -> memref<1x64xi32, #tpu.memory_space<vmem>>
    %dma_start3A_10 = tpu.memref_squeeze %dma_start3A_9 : memref<1x64xi32, #tpu.memory_space<vmem>> -> memref<64xi32, #tpu.memory_space<vmem>>
    %dma_start3A_11 = tpu.memref_slice %arg2[%dma_start3A_6, %mul3A_2] : memref<4x2048xi32, #tpu.memory_space<hbm>> -> memref<1x64xi32, #tpu.memory_space<hbm>>
    %dma_start3A_12 = tpu.memref_squeeze %dma_start3A_11 : memref<1x64xi32, #tpu.memory_space<hbm>> -> memref<64xi32, #tpu.memory_space<hbm>>
    %dma_start3A_13 = arith.constant 0 : i32
    %dma_start3A_14 = tpu.memref_slice %arg6[%dma_start3A_7, %dma_start3A_13] : memref<4x64xi32, #tpu.memory_space<vmem>> -> memref<1x64xi32, #tpu.memory_space<vmem>>
    %dma_start3A_15 = tpu.memref_squeeze %dma_start3A_14 : memref<1x64xi32, #tpu.memory_space<vmem>> -> memref<64xi32, #tpu.memory_space<vmem>>
    %dma_start3A_16 = tpu.memref_slice %arg2[%dma_start3A_6, %mul3A_2] : memref<4x2048xi32, #tpu.memory_space<hbm>> -> memref<1x64xi32, #tpu.memory_space<hbm>>
    %dma_start3A_17 = tpu.memref_squeeze %dma_start3A_16 : memref<1x64xi32, #tpu.memory_space<hbm>> -> memref<64xi32, #tpu.memory_space<hbm>>
    tpu.enqueue_dma source(%dma_start3A_17 : memref<64xi32, #tpu.memory_space<hbm>>) target(%dma_start3A_15 : memref<64xi32, #tpu.memory_space<vmem>>) target_semaphore(%arg10 : memref<!tpu.dma_semaphore, #tpu.memory_space<semaphore_mem>>)
    %dma_start3A_18 = arith.constant 1 : i32
    %dma_start3A_19 = arith.constant 1 : i32
    %dma_start3A_20 = arith.constant 0 : i32
    %dma_start3A_21 = tpu.memref_slice %arg6[%dma_start3A_19, %dma_start3A_20] : memref<4x64xi32, #tpu.memory_space<vmem>> -> memref<1x64xi32, #tpu.memory_space<vmem>>
    %dma_start3A_22 = tpu.memref_squeeze %dma_start3A_21 : memref<1x64xi32, #tpu.memory_space<vmem>> -> memref<64xi32, #tpu.memory_space<vmem>>
    %dma_start3A_23 = tpu.memref_slice %arg2[%dma_start3A_18, %mul3A_2] : memref<4x2048xi32, #tpu.memory_space<hbm>> -> memref<1x64xi32, #tpu.memory_space<hbm>>
    %dma_start3A_24 = tpu.memref_squeeze %dma_start3A_23 : memref<1x64xi32, #tpu.memory_space<hbm>> -> memref<64xi32, #tpu.memory_space<hbm>>
    %dma_start3A_25 = arith.constant 0 : i32
    %dma_start3A_26 = tpu.memref_slice %arg6[%dma_start3A_19, %dma_start3A_25] : memref<4x64xi32, #tpu.memory_space<vmem>> -> memref<1x64xi32, #tpu.memory_space<vmem>>
    %dma_start3A_27 = tpu.memref_squeeze %dma_start3A_26 : memref<1x64xi32, #tpu.memory_space<vmem>> -> memref<64xi32, #tpu.memory_space<vmem>>
    %dma_start3A_28 = tpu.memref_slice %arg2[%dma_start3A_18, %mul3A_2] : memref<4x2048xi32, #tpu.memory_space<hbm>> -> memref<1x64xi32, #tpu.memory_space<hbm>>
    %dma_start3A_29 = tpu.memref_squeeze %dma_start3A_28 : memref<1x64xi32, #tpu.memory_space<hbm>> -> memref<64xi32, #tpu.memory_space<hbm>>
    tpu.enqueue_dma source(%dma_start3A_29 : memref<64xi32, #tpu.memory_space<hbm>>) target(%dma_start3A_27 : memref<64xi32, #tpu.memory_space<vmem>>) target_semaphore(%arg10 : memref<!tpu.dma_semaphore, #tpu.memory_space<semaphore_mem>>)
    %dma_start3A_30 = arith.constant 2 : i32
    %dma_start3A_31 = arith.constant 2 : i32
    %dma_start3A_32 = arith.constant 0 : i32
    %dma_start3A_33 = tpu.memref_slice %arg6[%dma_start3A_31, %dma_start3A_32] : memref<4x64xi32, #tpu.memory_space<vmem>> -> memref<1x64xi32, #tpu.memory_space<vmem>>
    %dma_start3A_34 = tpu.memref_squeeze %dma_start3A_33 : memref<1x64xi32, #tpu.memory_space<vmem>> -> memref<64xi32, #tpu.memory_space<vmem>>
    %dma_start3A_35 = tpu.memref_slice %arg2[%dma_start3A_30, %mul3A_2] : memref<4x2048xi32, #tpu.memory_space<hbm>> -> memref<1x64xi32, #tpu.memory_space<hbm>>
    %dma_start3A_36 = tpu.memref_squeeze %dma_start3A_35 : memref<1x64xi32, #tpu.memory_space<hbm>> -> memref<64xi32, #tpu.memory_space<hbm>>
    %dma_start3A_37 = arith.constant 0 : i32
    %dma_start3A_38 = tpu.memref_slice %arg6[%dma_start3A_31, %dma_start3A_37] : memref<4x64xi32, #tpu.memory_space<vmem>> -> memref<1x64xi32, #tpu.memory_space<vmem>>
    %dma_start3A_39 = tpu.memref_squeeze %dma_start3A_38 : memref<1x64xi32, #tpu.memory_space<vmem>> -> memref<64xi32, #tpu.memory_space<vmem>>
    %dma_start3A_40 = tpu.memref_slice %arg2[%dma_start3A_30, %mul3A_2] : memref<4x2048xi32, #tpu.memory_space<hbm>> -> memref<1x64xi32, #tpu.memory_space<hbm>>
    %dma_start3A_41 = tpu.memref_squeeze %dma_start3A_40 : memref<1x64xi32, #tpu.memory_space<hbm>> -> memref<64xi32, #tpu.memory_space<hbm>>
    tpu.enqueue_dma source(%dma_start3A_41 : memref<64xi32, #tpu.memory_space<hbm>>) target(%dma_start3A_39 : memref<64xi32, #tpu.memory_space<vmem>>) target_semaphore(%arg10 : memref<!tpu.dma_semaphore, #tpu.memory_space<semaphore_mem>>)
    %dma_start3A_42 = arith.constant 3 : i32
    %dma_start3A_43 = arith.constant 3 : i32
    %dma_start3A_44 = arith.constant 0 : i32
    %dma_start3A_45 = tpu.memref_slice %arg6[%dma_start3A_43, %dma_start3A_44] : memref<4x64xi32, #tpu.memory_space<vmem>> -> memref<1x64xi32, #tpu.memory_space<vmem>>
    %dma_start3A_46 = tpu.memref_squeeze %dma_start3A_45 : memref<1x64xi32, #tpu.memory_space<vmem>> -> memref<64xi32, #tpu.memory_space<vmem>>
    %dma_start3A_47 = tpu.memref_slice %arg2[%dma_start3A_42, %mul3A_2] : memref<4x2048xi32, #tpu.memory_space<hbm>> -> memref<1x64xi32, #tpu.memory_space<hbm>>
    %dma_start3A_48 = tpu.memref_squeeze %dma_start3A_47 : memref<1x64xi32, #tpu.memory_space<hbm>> -> memref<64xi32, #tpu.memory_space<hbm>>
    %dma_start3A_49 = arith.constant 0 : i32
    %dma_start3A_50 = tpu.memref_slice %arg6[%dma_start3A_43, %dma_start3A_49] : memref<4x64xi32, #tpu.memory_space<vmem>> -> memref<1x64xi32, #tpu.memory_space<vmem>>
    %dma_start3A_51 = tpu.memref_squeeze %dma_start3A_50 : memref<1x64xi32, #tpu.memory_space<vmem>> -> memref<64xi32, #tpu.memory_space<vmem>>
    %dma_start3A_52 = tpu.memref_slice %arg2[%dma_start3A_42, %mul3A_2] : memref<4x2048xi32, #tpu.memory_space<hbm>> -> memref<1x64xi32, #tpu.memory_space<hbm>>
    %dma_start3A_53 = tpu.memref_squeeze %dma_start3A_52 : memref<1x64xi32, #tpu.memory_space<hbm>> -> memref<64xi32, #tpu.memory_space<hbm>>
    tpu.enqueue_dma source(%dma_start3A_53 : memref<64xi32, #tpu.memory_space<hbm>>) target(%dma_start3A_51 : memref<64xi32, #tpu.memory_space<vmem>>) target_semaphore(%arg10 : memref<!tpu.dma_semaphore, #tpu.memory_space<semaphore_mem>>)
    %dma_wait3A = arith.constant 0 : i32
    %dma_wait3A_54 = arith.constant 0 : i32
    %dma_wait3A_55 = arith.constant 0 : i32
    %dma_wait3A_56 = tpu.memref_slice %arg6[%dma_wait3A_54, %dma_wait3A_55] : memref<4x64xi32, #tpu.memory_space<vmem>> -> memref<1x64xi32, #tpu.memory_space<vmem>>
    %dma_wait3A_57 = tpu.memref_squeeze %dma_wait3A_56 : memref<1x64xi32, #tpu.memory_space<vmem>> -> memref<64xi32, #tpu.memory_space<vmem>>
    %dma_wait3A_58 = tpu.memref_slice %arg2[%dma_wait3A, %mul3A_2] : memref<4x2048xi32, #tpu.memory_space<hbm>> -> memref<1x64xi32, #tpu.memory_space<hbm>>
    %dma_wait3A_59 = tpu.memref_squeeze %dma_wait3A_58 : memref<1x64xi32, #tpu.memory_space<hbm>> -> memref<64xi32, #tpu.memory_space<hbm>>
    %dma_wait3A_60 = arith.constant 0 : i32
    %dma_wait3A_61 = tpu.memref_slice %arg6[%dma_wait3A_54, %dma_wait3A_60] : memref<4x64xi32, #tpu.memory_space<vmem>> -> memref<1x64xi32, #tpu.memory_space<vmem>>
    %dma_wait3A_62 = tpu.memref_squeeze %dma_wait3A_61 : memref<1x64xi32, #tpu.memory_space<vmem>> -> memref<64xi32, #tpu.memory_space<vmem>>
    %dma_wait3A_63 = tpu.memref_slice %arg2[%dma_wait3A, %mul3A_2] : memref<4x2048xi32, #tpu.memory_space<hbm>> -> memref<1x64xi32, #tpu.memory_space<hbm>>
    %dma_wait3A_64 = tpu.memref_squeeze %dma_wait3A_63 : memref<1x64xi32, #tpu.memory_space<hbm>> -> memref<64xi32, #tpu.memory_space<hbm>>
    tpu.wait_dma2 semaphore(%arg10 : memref<!tpu.dma_semaphore, #tpu.memory_space<semaphore_mem>>) src(%dma_wait3A_64 : memref<64xi32, #tpu.memory_space<hbm>>) dst(%dma_wait3A_62 : memref<64xi32, #tpu.memory_space<vmem>>)
    %dma_wait3A_65 = arith.constant 1 : i32
    %dma_wait3A_66 = arith.constant 1 : i32
    %dma_wait3A_67 = arith.constant 0 : i32
    %dma_wait3A_68 = tpu.memref_slice %arg6[%dma_wait3A_66, %dma_wait3A_67] : memref<4x64xi32, #tpu.memory_space<vmem>> -> memref<1x64xi32, #tpu.memory_space<vmem>>
    %dma_wait3A_69 = tpu.memref_squeeze %dma_wait3A_68 : memref<1x64xi32, #tpu.memory_space<vmem>> -> memref<64xi32, #tpu.memory_space<vmem>>
    %dma_wait3A_70 = tpu.memref_slice %arg2[%dma_wait3A_65, %mul3A_2] : memref<4x2048xi32, #tpu.memory_space<hbm>> -> memref<1x64xi32, #tpu.memory_space<hbm>>
    %dma_wait3A_71 = tpu.memref_squeeze %dma_wait3A_70 : memref<1x64xi32, #tpu.memory_space<hbm>> -> memref<64xi32, #tpu.memory_space<hbm>>
    %dma_wait3A_72 = arith.constant 0 : i32
    %dma_wait3A_73 = tpu.memref_slice %arg6[%dma_wait3A_66, %dma_wait3A_72] : memref<4x64xi32, #tpu.memory_space<vmem>> -> memref<1x64xi32, #tpu.memory_space<vmem>>
    %dma_wait3A_74 = tpu.memref_squeeze %dma_wait3A_73 : memref<1x64xi32, #tpu.memory_space<vmem>> -> memref<64xi32, #tpu.memory_space<vmem>>
    %dma_wait3A_75 = tpu.memref_slice %arg2[%dma_wait3A_65, %mul3A_2] : memref<4x2048xi32, #tpu.memory_space<hbm>> -> memref<1x64xi32, #tpu.memory_space<hbm>>
    %dma_wait3A_76 = tpu.memref_squeeze %dma_wait3A_75 : memref<1x64xi32, #tpu.memory_space<hbm>> -> memref<64xi32, #tpu.memory_space<hbm>>
    tpu.wait_dma2 semaphore(%arg10 : memref<!tpu.dma_semaphore, #tpu.memory_space<semaphore_mem>>) src(%dma_wait3A_76 : memref<64xi32, #tpu.memory_space<hbm>>) dst(%dma_wait3A_74 : memref<64xi32, #tpu.memory_space<vmem>>)
    %dma_wait3A_77 = arith.constant 2 : i32
    %dma_wait3A_78 = arith.constant 2 : i32
    %dma_wait3A_79 = arith.constant 0 : i32
    %dma_wait3A_80 = tpu.memref_slice %arg6[%dma_wait3A_78, %dma_wait3A_79] : memref<4x64xi32, #tpu.memory_space<vmem>> -> memref<1x64xi32, #tpu.memory_space<vmem>>
    %dma_wait3A_81 = tpu.memref_squeeze %dma_wait3A_80 : memref<1x64xi32, #tpu.memory_space<vmem>> -> memref<64xi32, #tpu.memory_space<vmem>>
    %dma_wait3A_82 = tpu.memref_slice %arg2[%dma_wait3A_77, %mul3A_2] : memref<4x2048xi32, #tpu.memory_space<hbm>> -> memref<1x64xi32, #tpu.memory_space<hbm>>
    %dma_wait3A_83 = tpu.memref_squeeze %dma_wait3A_82 : memref<1x64xi32, #tpu.memory_space<hbm>> -> memref<64xi32, #tpu.memory_space<hbm>>
    %dma_wait3A_84 = arith.constant 0 : i32
    %dma_wait3A_85 = tpu.memref_slice %arg6[%dma_wait3A_78, %dma_wait3A_84] : memref<4x64xi32, #tpu.memory_space<vmem>> -> memref<1x64xi32, #tpu.memory_space<vmem>>
    %dma_wait3A_86 = tpu.memref_squeeze %dma_wait3A_85 : memref<1x64xi32, #tpu.memory_space<vmem>> -> memref<64xi32, #tpu.memory_space<vmem>>
    %dma_wait3A_87 = tpu.memref_slice %arg2[%dma_wait3A_77, %mul3A_2] : memref<4x2048xi32, #tpu.memory_space<hbm>> -> memref<1x64xi32, #tpu.memory_space<hbm>>
    %dma_wait3A_88 = tpu.memref_squeeze %dma_wait3A_87 : memref<1x64xi32, #tpu.memory_space<hbm>> -> memref<64xi32, #tpu.memory_space<hbm>>
    tpu.wait_dma2 semaphore(%arg10 : memref<!tpu.dma_semaphore, #tpu.memory_space<semaphore_mem>>) src(%dma_wait3A_88 : memref<64xi32, #tpu.memory_space<hbm>>) dst(%dma_wait3A_86 : memref<64xi32, #tpu.memory_space<vmem>>)
    %dma_wait3A_89 = arith.constant 3 : i32
    %dma_wait3A_90 = arith.constant 3 : i32
    %dma_wait3A_91 = arith.constant 0 : i32
    %dma_wait3A_92 = tpu.memref_slice %arg6[%dma_wait3A_90, %dma_wait3A_91] : memref<4x64xi32, #tpu.memory_space<vmem>> -> memref<1x64xi32, #tpu.memory_space<vmem>>
    %dma_wait3A_93 = tpu.memref_squeeze %dma_wait3A_92 : memref<1x64xi32, #tpu.memory_space<vmem>> -> memref<64xi32, #tpu.memory_space<vmem>>
    %dma_wait3A_94 = tpu.memref_slice %arg2[%dma_wait3A_89, %mul3A_2] : memref<4x2048xi32, #tpu.memory_space<hbm>> -> memref<1x64xi32, #tpu.memory_space<hbm>>
    %dma_wait3A_95 = tpu.memref_squeeze %dma_wait3A_94 : memref<1x64xi32, #tpu.memory_space<hbm>> -> memref<64xi32, #tpu.memory_space<hbm>>
    %dma_wait3A_96 = arith.constant 0 : i32
    %dma_wait3A_97 = tpu.memref_slice %arg6[%dma_wait3A_90, %dma_wait3A_96] : memref<4x64xi32, #tpu.memory_space<vmem>> -> memref<1x64xi32, #tpu.memory_space<vmem>>
    %dma_wait3A_98 = tpu.memref_squeeze %dma_wait3A_97 : memref<1x64xi32, #tpu.memory_space<vmem>> -> memref<64xi32, #tpu.memory_space<vmem>>
    %dma_wait3A_99 = tpu.memref_slice %arg2[%dma_wait3A_89, %mul3A_2] : memref<4x2048xi32, #tpu.memory_space<hbm>> -> memref<1x64xi32, #tpu.memory_space<hbm>>
    %dma_wait3A_100 = tpu.memref_squeeze %dma_wait3A_99 : memref<1x64xi32, #tpu.memory_space<hbm>> -> memref<64xi32, #tpu.memory_space<hbm>>
    tpu.wait_dma2 semaphore(%arg10 : memref<!tpu.dma_semaphore, #tpu.memory_space<semaphore_mem>>) src(%dma_wait3A_100 : memref<64xi32, #tpu.memory_space<hbm>>) dst(%dma_wait3A_98 : memref<64xi32, #tpu.memory_space<vmem>>)
    %dma_start3A_101 = arith.constant 0 : i32
    %dma_start3A_102 = arith.constant 0 : i32
    %dma_start3A_103 = arith.constant 0 : i32
    %dma_start3A_104 = arith.constant 0 : i32
    %dma_start3A_105 = arith.constant 0 : i32
    %dma_start3A_106 = tpu.memref_slice %arg8[%dma_start3A_102, %dma_start3A_104, %dma_start3A_105] : memref<4x64x128xf32, #tpu.memory_space<vmem>> -> memref<1x64x128xf32, #tpu.memory_space<vmem>>
    %dma_start3A_107 = tpu.memref_squeeze %dma_start3A_106 : memref<1x64x128xf32, #tpu.memory_space<vmem>> -> memref<64x128xf32, #tpu.memory_space<vmem>>
    %dma_start3A_108 = arith.constant 0 : i32
    %dma_start3A_109 = tpu.memref_slice %arg6[%dma_start3A_101, %dma_start3A_108] : memref<4x64xi32, #tpu.memory_space<vmem>> -> memref<1x64xi32, #tpu.memory_space<vmem>>
    %dma_start3A_110 = tpu.memref_squeeze %dma_start3A_109 : memref<1x64xi32, #tpu.memory_space<vmem>> -> memref<64xi32, #tpu.memory_space<vmem>>
    %dma_start3A_111 = arith.constant 0 : i32
    %dma_start3A_112 = arith.constant 0 : i32
    %dma_start3A_113 = tpu.memref_slice %arg3[%dma_start3A_111, %dma_start3A_112] : memref<100000x128xf32, #tpu.memory_space<hbm>> -> memref<100000x128xf32, #tpu.memory_space<hbm>>
    %dma_start3A_114 = tpu.memref_slice %arg11[%dma_start3A_103] : memref<4x!tpu.dma_semaphore, #tpu.memory_space<semaphore_mem>> -> memref<1x!tpu.dma_semaphore, #tpu.memory_space<semaphore_mem>>
    %dma_start3A_115 = tpu.memref_squeeze %dma_start3A_114 : memref<1x!tpu.dma_semaphore, #tpu.memory_space<semaphore_mem>> -> memref<!tpu.dma_semaphore, #tpu.memory_space<semaphore_mem>>
    tpu.enqueue_indirect_dma source(%dma_start3A_113 : memref<100000x128xf32, #tpu.memory_space<hbm>>) target(%dma_start3A_107 : memref<64x128xf32, #tpu.memory_space<vmem>>) offsets(%dma_start3A_110 : memref<64xi32, #tpu.memory_space<vmem>>) semaphore(%dma_start3A_115 : memref<!tpu.dma_semaphore, #tpu.memory_space<semaphore_mem>>)
    %dma_start3A_116 = arith.constant 1 : i32
    %dma_start3A_117 = arith.constant 1 : i32
    %dma_start3A_118 = arith.constant 1 : i32
    %dma_start3A_119 = arith.constant 0 : i32
    %dma_start3A_120 = arith.constant 0 : i32
    %dma_start3A_121 = tpu.memref_slice %arg8[%dma_start3A_117, %dma_start3A_119, %dma_start3A_120] : memref<4x64x128xf32, #tpu.memory_space<vmem>> -> memref<1x64x128xf32, #tpu.memory_space<vmem>>
    %dma_start3A_122 = tpu.memref_squeeze %dma_start3A_121 : memref<1x64x128xf32, #tpu.memory_space<vmem>> -> memref<64x128xf32, #tpu.memory_space<vmem>>
    %dma_start3A_123 = arith.constant 0 : i32
    %dma_start3A_124 = tpu.memref_slice %arg6[%dma_start3A_116, %dma_start3A_123] : memref<4x64xi32, #tpu.memory_space<vmem>> -> memref<1x64xi32, #tpu.memory_space<vmem>>
    %dma_start3A_125 = tpu.memref_squeeze %dma_start3A_124 : memref<1x64xi32, #tpu.memory_space<vmem>> -> memref<64xi32, #tpu.memory_space<vmem>>
    %dma_start3A_126 = arith.constant 0 : i32
    %dma_start3A_127 = arith.constant 0 : i32
    %dma_start3A_128 = tpu.memref_slice %arg3[%dma_start3A_126, %dma_start3A_127] : memref<100000x128xf32, #tpu.memory_space<hbm>> -> memref<100000x128xf32, #tpu.memory_space<hbm>>
    %dma_start3A_129 = tpu.memref_slice %arg11[%dma_start3A_118] : memref<4x!tpu.dma_semaphore, #tpu.memory_space<semaphore_mem>> -> memref<1x!tpu.dma_semaphore, #tpu.memory_space<semaphore_mem>>
    %dma_start3A_130 = tpu.memref_squeeze %dma_start3A_129 : memref<1x!tpu.dma_semaphore, #tpu.memory_space<semaphore_mem>> -> memref<!tpu.dma_semaphore, #tpu.memory_space<semaphore_mem>>
    tpu.enqueue_indirect_dma source(%dma_start3A_128 : memref<100000x128xf32, #tpu.memory_space<hbm>>) target(%dma_start3A_122 : memref<64x128xf32, #tpu.memory_space<vmem>>) offsets(%dma_start3A_125 : memref<64xi32, #tpu.memory_space<vmem>>) semaphore(%dma_start3A_130 : memref<!tpu.dma_semaphore, #tpu.memory_space<semaphore_mem>>)
    %dma_start3A_131 = arith.constant 2 : i32
    %dma_start3A_132 = arith.constant 2 : i32
    %dma_start3A_133 = arith.constant 2 : i32
    %dma_start3A_134 = arith.constant 0 : i32
    %dma_start3A_135 = arith.constant 0 : i32
    %dma_start3A_136 = tpu.memref_slice %arg8[%dma_start3A_132, %dma_start3A_134, %dma_start3A_135] : memref<4x64x128xf32, #tpu.memory_space<vmem>> -> memref<1x64x128xf32, #tpu.memory_space<vmem>>
    %dma_start3A_137 = tpu.memref_squeeze %dma_start3A_136 : memref<1x64x128xf32, #tpu.memory_space<vmem>> -> memref<64x128xf32, #tpu.memory_space<vmem>>
    %dma_start3A_138 = arith.constant 0 : i32
    %dma_start3A_139 = tpu.memref_slice %arg6[%dma_start3A_131, %dma_start3A_138] : memref<4x64xi32, #tpu.memory_space<vmem>> -> memref<1x64xi32, #tpu.memory_space<vmem>>
    %dma_start3A_140 = tpu.memref_squeeze %dma_start3A_139 : memref<1x64xi32, #tpu.memory_space<vmem>> -> memref<64xi32, #tpu.memory_space<vmem>>
    %dma_start3A_141 = arith.constant 0 : i32
    %dma_start3A_142 = arith.constant 0 : i32
    %dma_start3A_143 = tpu.memref_slice %arg3[%dma_start3A_141, %dma_start3A_142] : memref<100000x128xf32, #tpu.memory_space<hbm>> -> memref<100000x128xf32, #tpu.memory_space<hbm>>
    %dma_start3A_144 = tpu.memref_slice %arg11[%dma_start3A_133] : memref<4x!tpu.dma_semaphore, #tpu.memory_space<semaphore_mem>> -> memref<1x!tpu.dma_semaphore, #tpu.memory_space<semaphore_mem>>
    %dma_start3A_145 = tpu.memref_squeeze %dma_start3A_144 : memref<1x!tpu.dma_semaphore, #tpu.memory_space<semaphore_mem>> -> memref<!tpu.dma_semaphore, #tpu.memory_space<semaphore_mem>>
    tpu.enqueue_indirect_dma source(%dma_start3A_143 : memref<100000x128xf32, #tpu.memory_space<hbm>>) target(%dma_start3A_137 : memref<64x128xf32, #tpu.memory_space<vmem>>) offsets(%dma_start3A_140 : memref<64xi32, #tpu.memory_space<vmem>>) semaphore(%dma_start3A_145 : memref<!tpu.dma_semaphore, #tpu.memory_space<semaphore_mem>>)
    %dma_start3A_146 = arith.constant 3 : i32
    %dma_start3A_147 = arith.constant 3 : i32
    %dma_start3A_148 = arith.constant 3 : i32
    %dma_start3A_149 = arith.constant 0 : i32
    %dma_start3A_150 = arith.constant 0 : i32
    %dma_start3A_151 = tpu.memref_slice %arg8[%dma_start3A_147, %dma_start3A_149, %dma_start3A_150] : memref<4x64x128xf32, #tpu.memory_space<vmem>> -> memref<1x64x128xf32, #tpu.memory_space<vmem>>
    %dma_start3A_152 = tpu.memref_squeeze %dma_start3A_151 : memref<1x64x128xf32, #tpu.memory_space<vmem>> -> memref<64x128xf32, #tpu.memory_space<vmem>>
    %dma_start3A_153 = arith.constant 0 : i32
    %dma_start3A_154 = tpu.memref_slice %arg6[%dma_start3A_146, %dma_start3A_153] : memref<4x64xi32, #tpu.memory_space<vmem>> -> memref<1x64xi32, #tpu.memory_space<vmem>>
    %dma_start3A_155 = tpu.memref_squeeze %dma_start3A_154 : memref<1x64xi32, #tpu.memory_space<vmem>> -> memref<64xi32, #tpu.memory_space<vmem>>
    %dma_start3A_156 = arith.constant 0 : i32
    %dma_start3A_157 = arith.constant 0 : i32
    %dma_start3A_158 = tpu.memref_slice %arg3[%dma_start3A_156, %dma_start3A_157] : memref<100000x128xf32, #tpu.memory_space<hbm>> -> memref<100000x128xf32, #tpu.memory_space<hbm>>
    %dma_start3A_159 = tpu.memref_slice %arg11[%dma_start3A_148] : memref<4x!tpu.dma_semaphore, #tpu.memory_space<semaphore_mem>> -> memref<1x!tpu.dma_semaphore, #tpu.memory_space<semaphore_mem>>
    %dma_start3A_160 = tpu.memref_squeeze %dma_start3A_159 : memref<1x!tpu.dma_semaphore, #tpu.memory_space<semaphore_mem>> -> memref<!tpu.dma_semaphore, #tpu.memory_space<semaphore_mem>>
    tpu.enqueue_indirect_dma source(%dma_start3A_158 : memref<100000x128xf32, #tpu.memory_space<hbm>>) target(%dma_start3A_152 : memref<64x128xf32, #tpu.memory_space<vmem>>) offsets(%dma_start3A_155 : memref<64xi32, #tpu.memory_space<vmem>>) semaphore(%dma_start3A_160 : memref<!tpu.dma_semaphore, #tpu.memory_space<semaphore_mem>>)
    %dma_wait3A_161 = arith.constant 0 : i32
    %dma_wait3A_162 = tpu.memref_slice %arg4[%mul3A_2, %dma_wait3A_161] : memref<2048x128xf32, #tpu.memory_space<hbm>> -> memref<64x128xf32, #tpu.memory_space<hbm>>
    %dma_wait3A_163 = arith.constant 0 : i32
    %dma_wait3A_164 = tpu.memref_slice %arg4[%mul3A_2, %dma_wait3A_163] : memref<2048x128xf32, #tpu.memory_space<hbm>> -> memref<64x128xf32, #tpu.memory_space<hbm>>
    tpu.wait_dma2 semaphore(%arg9 : memref<!tpu.dma_semaphore, #tpu.memory_space<semaphore_mem>>) src(%dma_wait3A_164 : memref<64x128xf32, #tpu.memory_space<hbm>>) dst(%arg7 : memref<64x128xf32, #tpu.memory_space<vmem>>)
    %dma_wait3A_165 = arith.constant 0 : i32
    %dma_wait3A_166 = arith.constant 0 : i32
    %dma_wait3A_167 = arith.constant 0 : i32
    %dma_wait3A_168 = arith.constant 0 : i32
    %dma_wait3A_169 = arith.constant 0 : i32
    %dma_wait3A_170 = tpu.memref_slice %arg8[%dma_wait3A_166, %dma_wait3A_168, %dma_wait3A_169] : memref<4x64x128xf32, #tpu.memory_space<vmem>> -> memref<1x64x128xf32, #tpu.memory_space<vmem>>
    %dma_wait3A_171 = tpu.memref_squeeze %dma_wait3A_170 : memref<1x64x128xf32, #tpu.memory_space<vmem>> -> memref<64x128xf32, #tpu.memory_space<vmem>>
    %dma_wait3A_172 = arith.constant 0 : i32
    %dma_wait3A_173 = tpu.memref_slice %arg6[%dma_wait3A_165, %dma_wait3A_172] : memref<4x64xi32, #tpu.memory_space<vmem>> -> memref<1x64xi32, #tpu.memory_space<vmem>>
    %dma_wait3A_174 = tpu.memref_squeeze %dma_wait3A_173 : memref<1x64xi32, #tpu.memory_space<vmem>> -> memref<64xi32, #tpu.memory_space<vmem>>
    %dma_wait3A_175 = arith.constant 0 : i32
    %dma_wait3A_176 = arith.constant 0 : i32
    %dma_wait3A_177 = tpu.memref_slice %arg3[%dma_wait3A_175, %dma_wait3A_176] : memref<100000x128xf32, #tpu.memory_space<hbm>> -> memref<100000x128xf32, #tpu.memory_space<hbm>>
    %dma_wait3A_178 = tpu.memref_slice %arg11[%dma_wait3A_167] : memref<4x!tpu.dma_semaphore, #tpu.memory_space<semaphore_mem>> -> memref<1x!tpu.dma_semaphore, #tpu.memory_space<semaphore_mem>>
    %dma_wait3A_179 = tpu.memref_squeeze %dma_wait3A_178 : memref<1x!tpu.dma_semaphore, #tpu.memory_space<semaphore_mem>> -> memref<!tpu.dma_semaphore, #tpu.memory_space<semaphore_mem>>
    tpu.wait_indirect_dma semaphore(%dma_wait3A_179 : memref<!tpu.dma_semaphore, #tpu.memory_space<semaphore_mem>>) src(%dma_wait3A_177 : memref<100000x128xf32, #tpu.memory_space<hbm>>) dst(%dma_wait3A_171 : memref<64x128xf32, #tpu.memory_space<vmem>>)
    %scan3A = arith.constant 0 : i32
    %scan3A_180 = arith.constant 0 : i32
    %scan3A_181 = arith.constant 64 : i32
    %scan3A_182 = arith.addi %scan3A_180, %scan3A_181 : i32
    %scan3A_183 = arith.constant 1 : i32
    scf.for %scan3A_376 = %scan3A_180 to %scan3A_182 step %scan3A_183  : i32 {
      %get3A = arith.constant 0 : i32
      %get3A_377 = arith.index_cast %get3A : i32 to index
      %get3A_378 = arith.index_cast %scan3A_376 : i32 to index
      %get3A_379 = arith.constant 0 : index
      %get3A_380 = tpu.vector_load %arg8[%get3A_377, %get3A_378, %get3A_379] {strides = array<i32>} : memref<4x64x128xf32, #tpu.memory_space<vmem>>, vector<1x1x16xf32>,
      %get3A_381 = vector.shape_cast %get3A_380 : vector<1x1x16xf32> to vector<16xf32>
      %get3A_382 = arith.index_cast %scan3A_376 : i32 to index
      %get3A_383 = arith.constant 0 : index
      %get3A_384 = tpu.vector_load %arg7[%get3A_382, %get3A_383] {strides = array<i32>} : memref<64x128xf32, #tpu.memory_space<vmem>>, vector<1x16xf32>,
      %get3A_385 = vector.shape_cast %get3A_384 : vector<1x16xf32> to vector<16xf32>
      %add3A_386 = arith.addf %get3A_381, %get3A_385 : vector<16xf32>
      %swap3A = arith.constant 0 : i32
      %swap3A_387 = arith.index_cast %swap3A : i32 to index
      %swap3A_388 = arith.index_cast %scan3A_376 : i32 to index
      %swap3A_389 = arith.constant 0 : index
      %swap3A_390 = tpu.vector_load %arg8[%swap3A_387, %swap3A_388, %swap3A_389] {strides = array<i32>} : memref<4x64x128xf32, #tpu.memory_space<vmem>>, vector<1x1x16xf32>,
      %swap3A_391 = vector.shape_cast %swap3A_390 : vector<1x1x16xf32> to vector<16xf32>
      %swap3A_392 = vector.shape_cast %add3A_386 : vector<16xf32> to vector<1x1x16xf32>
      tpu.vector_store %arg8[%swap3A_387, %swap3A_388, %swap3A_389], %swap3A_392 {strides = array<i32>} : memref<4x64x128xf32, #tpu.memory_space<vmem>>, vector<1x1x16xf32>,
      %get3A_393 = arith.constant 0 : i32
      %get3A_394 = arith.index_cast %get3A_393 : i32 to index
      %get3A_395 = arith.index_cast %scan3A_376 : i32 to index
      %get3A_396 = arith.constant 16 : index
      %get3A_397 = tpu.vector_load %arg8[%get3A_394, %get3A_395, %get3A_396] {strides = array<i32>} : memref<4x64x128xf32, #tpu.memory_space<vmem>>, vector<1x1x16xf32>,
      %get3A_398 = vector.shape_cast %get3A_397 : vector<1x1x16xf32> to vector<16xf32>
      %get3A_399 = arith.index_cast %scan3A_376 : i32 to index
      %get3A_400 = arith.constant 16 : index
      %get3A_401 = tpu.vector_load %arg7[%get3A_399, %get3A_400] {strides = array<i32>} : memref<64x128xf32, #tpu.memory_space<vmem>>, vector<1x16xf32>,
      %get3A_402 = vector.shape_cast %get3A_401 : vector<1x16xf32> to vector<16xf32>
      %add3A_403 = arith.addf %get3A_398, %get3A_402 : vector<16xf32>
      %swap3A_404 = arith.constant 0 : i32
      %swap3A_405 = arith.index_cast %swap3A_404 : i32 to index
      %swap3A_406 = arith.index_cast %scan3A_376 : i32 to index
      %swap3A_407 = arith.constant 16 : index
      %swap3A_408 = tpu.vector_load %arg8[%swap3A_405, %swap3A_406, %swap3A_407] {strides = array<i32>} : memref<4x64x128xf32, #tpu.memory_space<vmem>>, vector<1x1x16xf32>,
      %swap3A_409 = vector.shape_cast %swap3A_408 : vector<1x1x16xf32> to vector<16xf32>
      %swap3A_410 = vector.shape_cast %add3A_403 : vector<16xf32> to vector<1x1x16xf32>
      tpu.vector_store %arg8[%swap3A_405, %swap3A_406, %swap3A_407], %swap3A_410 {strides = array<i32>} : memref<4x64x128xf32, #tpu.memory_space<vmem>>, vector<1x1x16xf32>,
      %get3A_411 = arith.constant 0 : i32
      %get3A_412 = arith.index_cast %get3A_411 : i32 to index
      %get3A_413 = arith.index_cast %scan3A_376 : i32 to index
      %get3A_414 = arith.constant 32 : index
      %get3A_415 = tpu.vector_load %arg8[%get3A_412, %get3A_413, %get3A_414] {strides = array<i32>} : memref<4x64x128xf32, #tpu.memory_space<vmem>>, vector<1x1x16xf32>,
      %get3A_416 = vector.shape_cast %get3A_415 : vector<1x1x16xf32> to vector<16xf32>
      %get3A_417 = arith.index_cast %scan3A_376 : i32 to index
      %get3A_418 = arith.constant 32 : index
      %get3A_419 = tpu.vector_load %arg7[%get3A_417, %get3A_418] {strides = array<i32>} : memref<64x128xf32, #tpu.memory_space<vmem>>, vector<1x16xf32>,
      %get3A_420 = vector.shape_cast %get3A_419 : vector<1x16xf32> to vector<16xf32>
      %add3A_421 = arith.addf %get3A_416, %get3A_420 : vector<16xf32>
      %swap3A_422 = arith.constant 0 : i32
      %swap3A_423 = arith.index_cast %swap3A_422 : i32 to index
      %swap3A_424 = arith.index_cast %scan3A_376 : i32 to index
      %swap3A_425 = arith.constant 32 : index
      %swap3A_426 = tpu.vector_load %arg8[%swap3A_423, %swap3A_424, %swap3A_425] {strides = array<i32>} : memref<4x64x128xf32, #tpu.memory_space<vmem>>, vector<1x1x16xf32>,
      %swap3A_427 = vector.shape_cast %swap3A_426 : vector<1x1x16xf32> to vector<16xf32>
      %swap3A_428 = vector.shape_cast %add3A_421 : vector<16xf32> to vector<1x1x16xf32>
      tpu.vector_store %arg8[%swap3A_423, %swap3A_424, %swap3A_425], %swap3A_428 {strides = array<i32>} : memref<4x64x128xf32, #tpu.memory_space<vmem>>, vector<1x1x16xf32>,
      %get3A_429 = arith.constant 0 : i32
      %get3A_430 = arith.index_cast %get3A_429 : i32 to index
      %get3A_431 = arith.index_cast %scan3A_376 : i32 to index
      %get3A_432 = arith.constant 48 : index
      %get3A_433 = tpu.vector_load %arg8[%get3A_430, %get3A_431, %get3A_432] {strides = array<i32>} : memref<4x64x128xf32, #tpu.memory_space<vmem>>, vector<1x1x16xf32>,
      %get3A_434 = vector.shape_cast %get3A_433 : vector<1x1x16xf32> to vector<16xf32>
      %get3A_435 = arith.index_cast %scan3A_376 : i32 to index
      %get3A_436 = arith.constant 48 : index
      %get3A_437 = tpu.vector_load %arg7[%get3A_435, %get3A_436] {strides = array<i32>} : memref<64x128xf32, #tpu.memory_space<vmem>>, vector<1x16xf32>,
      %get3A_438 = vector.shape_cast %get3A_437 : vector<1x16xf32> to vector<16xf32>
      %add3A_439 = arith.addf %get3A_434, %get3A_438 : vector<16xf32>
      %swap3A_440 = arith.constant 0 : i32
      %swap3A_441 = arith.index_cast %swap3A_440 : i32 to index
      %swap3A_442 = arith.index_cast %scan3A_376 : i32 to index
      %swap3A_443 = arith.constant 48 : index
      %swap3A_444 = tpu.vector_load %arg8[%swap3A_441, %swap3A_442, %swap3A_443] {strides = array<i32>} : memref<4x64x128xf32, #tpu.memory_space<vmem>>, vector<1x1x16xf32>,
      %swap3A_445 = vector.shape_cast %swap3A_444 : vector<1x1x16xf32> to vector<16xf32>
      %swap3A_446 = vector.shape_cast %add3A_439 : vector<16xf32> to vector<1x1x16xf32>
      tpu.vector_store %arg8[%swap3A_441, %swap3A_442, %swap3A_443], %swap3A_446 {strides = array<i32>} : memref<4x64x128xf32, #tpu.memory_space<vmem>>, vector<1x1x16xf32>,
      %get3A_447 = arith.constant 0 : i32
      %get3A_448 = arith.index_cast %get3A_447 : i32 to index
      %get3A_449 = arith.index_cast %scan3A_376 : i32 to index
      %get3A_450 = arith.constant 64 : index
      %get3A_451 = tpu.vector_load %arg8[%get3A_448, %get3A_449, %get3A_450] {strides = array<i32>} : memref<4x64x128xf32, #tpu.memory_space<vmem>>, vector<1x1x16xf32>,
      %get3A_452 = vector.shape_cast %get3A_451 : vector<1x1x16xf32> to vector<16xf32>
      %get3A_453 = arith.index_cast %scan3A_376 : i32 to index
      %get3A_454 = arith.constant 64 : index
      %get3A_455 = tpu.vector_load %arg7[%get3A_453, %get3A_454] {strides = array<i32>} : memref<64x128xf32, #tpu.memory_space<vmem>>, vector<1x16xf32>,
      %get3A_456 = vector.shape_cast %get3A_455 : vector<1x16xf32> to vector<16xf32>
      %add3A_457 = arith.addf %get3A_452, %get3A_456 : vector<16xf32>
      %swap3A_458 = arith.constant 0 : i32
      %swap3A_459 = arith.index_cast %swap3A_458 : i32 to index
      %swap3A_460 = arith.index_cast %scan3A_376 : i32 to index
      %swap3A_461 = arith.constant 64 : index
      %swap3A_462 = tpu.vector_load %arg8[%swap3A_459, %swap3A_460, %swap3A_461] {strides = array<i32>} : memref<4x64x128xf32, #tpu.memory_space<vmem>>, vector<1x1x16xf32>,
      %swap3A_463 = vector.shape_cast %swap3A_462 : vector<1x1x16xf32> to vector<16xf32>
      %swap3A_464 = vector.shape_cast %add3A_457 : vector<16xf32> to vector<1x1x16xf32>
      tpu.vector_store %arg8[%swap3A_459, %swap3A_460, %swap3A_461], %swap3A_464 {strides = array<i32>} : memref<4x64x128xf32, #tpu.memory_space<vmem>>, vector<1x1x16xf32>,
      %get3A_465 = arith.constant 0 : i32
      %get3A_466 = arith.index_cast %get3A_465 : i32 to index
      %get3A_467 = arith.index_cast %scan3A_376 : i32 to index
      %get3A_468 = arith.constant 80 : index
      %get3A_469 = tpu.vector_load %arg8[%get3A_466, %get3A_467, %get3A_468] {strides = array<i32>} : memref<4x64x128xf32, #tpu.memory_space<vmem>>, vector<1x1x16xf32>,
      %get3A_470 = vector.shape_cast %get3A_469 : vector<1x1x16xf32> to vector<16xf32>
      %get3A_471 = arith.index_cast %scan3A_376 : i32 to index
      %get3A_472 = arith.constant 80 : index
      %get3A_473 = tpu.vector_load %arg7[%get3A_471, %get3A_472] {strides = array<i32>} : memref<64x128xf32, #tpu.memory_space<vmem>>, vector<1x16xf32>,
      %get3A_474 = vector.shape_cast %get3A_473 : vector<1x16xf32> to vector<16xf32>
      %add3A_475 = arith.addf %get3A_470, %get3A_474 : vector<16xf32>
      %swap3A_476 = arith.constant 0 : i32
      %swap3A_477 = arith.index_cast %swap3A_476 : i32 to index
      %swap3A_478 = arith.index_cast %scan3A_376 : i32 to index
      %swap3A_479 = arith.constant 80 : index
      %swap3A_480 = tpu.vector_load %arg8[%swap3A_477, %swap3A_478, %swap3A_479] {strides = array<i32>} : memref<4x64x128xf32, #tpu.memory_space<vmem>>, vector<1x1x16xf32>,
      %swap3A_481 = vector.shape_cast %swap3A_480 : vector<1x1x16xf32> to vector<16xf32>
      %swap3A_482 = vector.shape_cast %add3A_475 : vector<16xf32> to vector<1x1x16xf32>
      tpu.vector_store %arg8[%swap3A_477, %swap3A_478, %swap3A_479], %swap3A_482 {strides = array<i32>} : memref<4x64x128xf32, #tpu.memory_space<vmem>>, vector<1x1x16xf32>,
      %get3A_483 = arith.constant 0 : i32
      %get3A_484 = arith.index_cast %get3A_483 : i32 to index
      %get3A_485 = arith.index_cast %scan3A_376 : i32 to index
      %get3A_486 = arith.constant 96 : index
      %get3A_487 = tpu.vector_load %arg8[%get3A_484, %get3A_485, %get3A_486] {strides = array<i32>} : memref<4x64x128xf32, #tpu.memory_space<vmem>>, vector<1x1x16xf32>,
      %get3A_488 = vector.shape_cast %get3A_487 : vector<1x1x16xf32> to vector<16xf32>
      %get3A_489 = arith.index_cast %scan3A_376 : i32 to index
      %get3A_490 = arith.constant 96 : index
      %get3A_491 = tpu.vector_load %arg7[%get3A_489, %get3A_490] {strides = array<i32>} : memref<64x128xf32, #tpu.memory_space<vmem>>, vector<1x16xf32>,
      %get3A_492 = vector.shape_cast %get3A_491 : vector<1x16xf32> to vector<16xf32>
      %add3A_493 = arith.addf %get3A_488, %get3A_492 : vector<16xf32>
      %swap3A_494 = arith.constant 0 : i32
      %swap3A_495 = arith.index_cast %swap3A_494 : i32 to index
      %swap3A_496 = arith.index_cast %scan3A_376 : i32 to index
      %swap3A_497 = arith.constant 96 : index
      %swap3A_498 = tpu.vector_load %arg8[%swap3A_495, %swap3A_496, %swap3A_497] {strides = array<i32>} : memref<4x64x128xf32, #tpu.memory_space<vmem>>, vector<1x1x16xf32>,
      %swap3A_499 = vector.shape_cast %swap3A_498 : vector<1x1x16xf32> to vector<16xf32>
      %swap3A_500 = vector.shape_cast %add3A_493 : vector<16xf32> to vector<1x1x16xf32>
      tpu.vector_store %arg8[%swap3A_495, %swap3A_496, %swap3A_497], %swap3A_500 {strides = array<i32>} : memref<4x64x128xf32, #tpu.memory_space<vmem>>, vector<1x1x16xf32>,
      %get3A_501 = arith.constant 0 : i32
      %get3A_502 = arith.index_cast %get3A_501 : i32 to index
      %get3A_503 = arith.index_cast %scan3A_376 : i32 to index
      %get3A_504 = arith.constant 112 : index
      %get3A_505 = tpu.vector_load %arg8[%get3A_502, %get3A_503, %get3A_504] {strides = array<i32>} : memref<4x64x128xf32, #tpu.memory_space<vmem>>, vector<1x1x16xf32>,
      %get3A_506 = vector.shape_cast %get3A_505 : vector<1x1x16xf32> to vector<16xf32>
      %get3A_507 = arith.index_cast %scan3A_376 : i32 to index
      %get3A_508 = arith.constant 112 : index
      %get3A_509 = tpu.vector_load %arg7[%get3A_507, %get3A_508] {strides = array<i32>} : memref<64x128xf32, #tpu.memory_space<vmem>>, vector<1x16xf32>,
      %get3A_510 = vector.shape_cast %get3A_509 : vector<1x16xf32> to vector<16xf32>
      %add3A_511 = arith.addf %get3A_506, %get3A_510 : vector<16xf32>
      %swap3A_512 = arith.constant 0 : i32
      %swap3A_513 = arith.index_cast %swap3A_512 : i32 to index
      %swap3A_514 = arith.index_cast %scan3A_376 : i32 to index
      %swap3A_515 = arith.constant 112 : index
      %swap3A_516 = tpu.vector_load %arg8[%swap3A_513, %swap3A_514, %swap3A_515] {strides = array<i32>} : memref<4x64x128xf32, #tpu.memory_space<vmem>>, vector<1x1x16xf32>,
      %swap3A_517 = vector.shape_cast %swap3A_516 : vector<1x1x16xf32> to vector<16xf32>
      %swap3A_518 = vector.shape_cast %add3A_511 : vector<16xf32> to vector<1x1x16xf32>
      tpu.vector_store %arg8[%swap3A_513, %swap3A_514, %swap3A_515], %swap3A_518 {strides = array<i32>} : memref<4x64x128xf32, #tpu.memory_space<vmem>>, vector<1x1x16xf32>,
    }
    %scan3A_184 = arith.constant 64 : i32
    %dma_start3A_185 = arith.constant 0 : i32
    %dma_start3A_186 = arith.constant 0 : i32
    %dma_start3A_187 = arith.constant 0 : i32
    %dma_start3A_188 = arith.constant 0 : i32
    %dma_start3A_189 = tpu.memref_slice %arg8[%dma_start3A_185, %dma_start3A_187, %dma_start3A_188] : memref<4x64x128xf32, #tpu.memory_space<vmem>> -> memref<1x64x128xf32, #tpu.memory_space<vmem>>
    %dma_start3A_190 = tpu.memref_squeeze %dma_start3A_189 : memref<1x64x128xf32, #tpu.memory_space<vmem>> -> memref<64x128xf32, #tpu.memory_space<vmem>>
    %dma_start3A_191 = arith.constant 0 : i32
    %dma_start3A_192 = tpu.memref_slice %arg5[%dma_start3A_186, %mul3A_2, %dma_start3A_191] : memref<4x2048x128xf32, #tpu.memory_space<hbm>> -> memref<1x64x128xf32, #tpu.memory_space<hbm>>
    %dma_start3A_193 = tpu.memref_squeeze %dma_start3A_192 : memref<1x64x128xf32, #tpu.memory_space<hbm>> -> memref<64x128xf32, #tpu.memory_space<hbm>>
    %dma_start3A_194 = arith.constant 0 : i32
    %dma_start3A_195 = tpu.memref_slice %arg5[%dma_start3A_186, %mul3A_2, %dma_start3A_194] : memref<4x2048x128xf32, #tpu.memory_space<hbm>> -> memref<1x64x128xf32, #tpu.memory_space<hbm>>
    %dma_start3A_196 = tpu.memref_squeeze %dma_start3A_195 : memref<1x64x128xf32, #tpu.memory_space<hbm>> -> memref<64x128xf32, #tpu.memory_space<hbm>>
    %dma_start3A_197 = arith.constant 0 : i32
    %dma_start3A_198 = arith.constant 0 : i32
    %dma_start3A_199 = tpu.memref_slice %arg8[%dma_start3A_185, %dma_start3A_197, %dma_start3A_198] : memref<4x64x128xf32, #tpu.memory_space<vmem>> -> memref<1x64x128xf32, #tpu.memory_space<vmem>>
    %dma_start3A_200 = tpu.memref_squeeze %dma_start3A_199 : memref<1x64x128xf32, #tpu.memory_space<vmem>> -> memref<64x128xf32, #tpu.memory_space<vmem>>
    tpu.enqueue_dma source(%dma_start3A_200 : memref<64x128xf32, #tpu.memory_space<vmem>>) target(%dma_start3A_196 : memref<64x128xf32, #tpu.memory_space<hbm>>) target_semaphore(%arg12 : memref<!tpu.dma_semaphore, #tpu.memory_space<semaphore_mem>>)
    %dma_wait3A_201 = arith.constant 1 : i32
    %dma_wait3A_202 = arith.constant 1 : i32
    %dma_wait3A_203 = arith.constant 1 : i32
    %dma_wait3A_204 = arith.constant 0 : i32
    %dma_wait3A_205 = arith.constant 0 : i32
    %dma_wait3A_206 = tpu.memref_slice %arg8[%dma_wait3A_202, %dma_wait3A_204, %dma_wait3A_205] : memref<4x64x128xf32, #tpu.memory_space<vmem>> -> memref<1x64x128xf32, #tpu.memory_space<vmem>>
    %dma_wait3A_207 = tpu.memref_squeeze %dma_wait3A_206 : memref<1x64x128xf32, #tpu.memory_space<vmem>> -> memref<64x128xf32, #tpu.memory_space<vmem>>
    %dma_wait3A_208 = arith.constant 0 : i32
    %dma_wait3A_209 = tpu.memref_slice %arg6[%dma_wait3A_201, %dma_wait3A_208] : memref<4x64xi32, #tpu.memory_space<vmem>> -> memref<1x64xi32, #tpu.memory_space<vmem>>
    %dma_wait3A_210 = tpu.memref_squeeze %dma_wait3A_209 : memref<1x64xi32, #tpu.memory_space<vmem>> -> memref<64xi32, #tpu.memory_space<vmem>>
    %dma_wait3A_211 = arith.constant 0 : i32
    %dma_wait3A_212 = arith.constant 0 : i32
    %dma_wait3A_213 = tpu.memref_slice %arg3[%dma_wait3A_211, %dma_wait3A_212] : memref<100000x128xf32, #tpu.memory_space<hbm>> -> memref<100000x128xf32, #tpu.memory_space<hbm>>
    %dma_wait3A_214 = tpu.memref_slice %arg11[%dma_wait3A_203] : memref<4x!tpu.dma_semaphore, #tpu.memory_space<semaphore_mem>> -> memref<1x!tpu.dma_semaphore, #tpu.memory_space<semaphore_mem>>
    %dma_wait3A_215 = tpu.memref_squeeze %dma_wait3A_214 : memref<1x!tpu.dma_semaphore, #tpu.memory_space<semaphore_mem>> -> memref<!tpu.dma_semaphore, #tpu.memory_space<semaphore_mem>>
    tpu.wait_indirect_dma semaphore(%dma_wait3A_215 : memref<!tpu.dma_semaphore, #tpu.memory_space<semaphore_mem>>) src(%dma_wait3A_213 : memref<100000x128xf32, #tpu.memory_space<hbm>>) dst(%dma_wait3A_207 : memref<64x128xf32, #tpu.memory_space<vmem>>)
    %scan3A_216 = arith.constant 0 : i32
    %scan3A_217 = arith.constant 0 : i32
    %scan3A_218 = arith.constant 64 : i32
    %scan3A_219 = arith.addi %scan3A_217, %scan3A_218 : i32
    %scan3A_220 = arith.constant 1 : i32
    scf.for %scan3A_376 = %scan3A_217 to %scan3A_219 step %scan3A_220  : i32 {
      %get3A = arith.constant 1 : i32
      %get3A_377 = arith.index_cast %get3A : i32 to index
      %get3A_378 = arith.index_cast %scan3A_376 : i32 to index
      %get3A_379 = arith.constant 0 : index
      %get3A_380 = tpu.vector_load %arg8[%get3A_377, %get3A_378, %get3A_379] {strides = array<i32>} : memref<4x64x128xf32, #tpu.memory_space<vmem>>, vector<1x1x16xf32>,
      %get3A_381 = vector.shape_cast %get3A_380 : vector<1x1x16xf32> to vector<16xf32>
      %get3A_382 = arith.index_cast %scan3A_376 : i32 to index
      %get3A_383 = arith.constant 0 : index
      %get3A_384 = tpu.vector_load %arg7[%get3A_382, %get3A_383] {strides = array<i32>} : memref<64x128xf32, #tpu.memory_space<vmem>>, vector<1x16xf32>,
      %get3A_385 = vector.shape_cast %get3A_384 : vector<1x16xf32> to vector<16xf32>
      %add3A_386 = arith.addf %get3A_381, %get3A_385 : vector<16xf32>
      %swap3A = arith.constant 1 : i32
      %swap3A_387 = arith.index_cast %swap3A : i32 to index
      %swap3A_388 = arith.index_cast %scan3A_376 : i32 to index
      %swap3A_389 = arith.constant 0 : index
      %swap3A_390 = tpu.vector_load %arg8[%swap3A_387, %swap3A_388, %swap3A_389] {strides = array<i32>} : memref<4x64x128xf32, #tpu.memory_space<vmem>>, vector<1x1x16xf32>,
      %swap3A_391 = vector.shape_cast %swap3A_390 : vector<1x1x16xf32> to vector<16xf32>
      %swap3A_392 = vector.shape_cast %add3A_386 : vector<16xf32> to vector<1x1x16xf32>
      tpu.vector_store %arg8[%swap3A_387, %swap3A_388, %swap3A_389], %swap3A_392 {strides = array<i32>} : memref<4x64x128xf32, #tpu.memory_space<vmem>>, vector<1x1x16xf32>,
      %get3A_393 = arith.constant 1 : i32
      %get3A_394 = arith.index_cast %get3A_393 : i32 to index
      %get3A_395 = arith.index_cast %scan3A_376 : i32 to index
      %get3A_396 = arith.constant 16 : index
      %get3A_397 = tpu.vector_load %arg8[%get3A_394, %get3A_395, %get3A_396] {strides = array<i32>} : memref<4x64x128xf32, #tpu.memory_space<vmem>>, vector<1x1x16xf32>,
      %get3A_398 = vector.shape_cast %get3A_397 : vector<1x1x16xf32> to vector<16xf32>
      %get3A_399 = arith.index_cast %scan3A_376 : i32 to index
      %get3A_400 = arith.constant 16 : index
      %get3A_401 = tpu.vector_load %arg7[%get3A_399, %get3A_400] {strides = array<i32>} : memref<64x128xf32, #tpu.memory_space<vmem>>, vector<1x16xf32>,
      %get3A_402 = vector.shape_cast %get3A_401 : vector<1x16xf32> to vector<16xf32>
      %add3A_403 = arith.addf %get3A_398, %get3A_402 : vector<16xf32>
      %swap3A_404 = arith.constant 1 : i32
      %swap3A_405 = arith.index_cast %swap3A_404 : i32 to index
      %swap3A_406 = arith.index_cast %scan3A_376 : i32 to index
      %swap3A_407 = arith.constant 16 : index
      %swap3A_408 = tpu.vector_load %arg8[%swap3A_405, %swap3A_406, %swap3A_407] {strides = array<i32>} : memref<4x64x128xf32, #tpu.memory_space<vmem>>, vector<1x1x16xf32>,
      %swap3A_409 = vector.shape_cast %swap3A_408 : vector<1x1x16xf32> to vector<16xf32>
      %swap3A_410 = vector.shape_cast %add3A_403 : vector<16xf32> to vector<1x1x16xf32>
      tpu.vector_store %arg8[%swap3A_405, %swap3A_406, %swap3A_407], %swap3A_410 {strides = array<i32>} : memref<4x64x128xf32, #tpu.memory_space<vmem>>, vector<1x1x16xf32>,
      %get3A_411 = arith.constant 1 : i32
      %get3A_412 = arith.index_cast %get3A_411 : i32 to index
      %get3A_413 = arith.index_cast %scan3A_376 : i32 to index
      %get3A_414 = arith.constant 32 : index
      %get3A_415 = tpu.vector_load %arg8[%get3A_412, %get3A_413, %get3A_414] {strides = array<i32>} : memref<4x64x128xf32, #tpu.memory_space<vmem>>, vector<1x1x16xf32>,
      %get3A_416 = vector.shape_cast %get3A_415 : vector<1x1x16xf32> to vector<16xf32>
      %get3A_417 = arith.index_cast %scan3A_376 : i32 to index
      %get3A_418 = arith.constant 32 : index
      %get3A_419 = tpu.vector_load %arg7[%get3A_417, %get3A_418] {strides = array<i32>} : memref<64x128xf32, #tpu.memory_space<vmem>>, vector<1x16xf32>,
      %get3A_420 = vector.shape_cast %get3A_419 : vector<1x16xf32> to vector<16xf32>
      %add3A_421 = arith.addf %get3A_416, %get3A_420 : vector<16xf32>
      %swap3A_422 = arith.constant 1 : i32
      %swap3A_423 = arith.index_cast %swap3A_422 : i32 to index
      %swap3A_424 = arith.index_cast %scan3A_376 : i32 to index
      %swap3A_425 = arith.constant 32 : index
      %swap3A_426 = tpu.vector_load %arg8[%swap3A_423, %swap3A_424, %swap3A_425] {strides = array<i32>} : memref<4x64x128xf32, #tpu.memory_space<vmem>>, vector<1x1x16xf32>,
      %swap3A_427 = vector.shape_cast %swap3A_426 : vector<1x1x16xf32> to vector<16xf32>
      %swap3A_428 = vector.shape_cast %add3A_421 : vector<16xf32> to vector<1x1x16xf32>
      tpu.vector_store %arg8[%swap3A_423, %swap3A_424, %swap3A_425], %swap3A_428 {strides = array<i32>} : memref<4x64x128xf32, #tpu.memory_space<vmem>>, vector<1x1x16xf32>,
      %get3A_429 = arith.constant 1 : i32
      %get3A_430 = arith.index_cast %get3A_429 : i32 to index
      %get3A_431 = arith.index_cast %scan3A_376 : i32 to index
      %get3A_432 = arith.constant 48 : index
      %get3A_433 = tpu.vector_load %arg8[%get3A_430, %get3A_431, %get3A_432] {strides = array<i32>} : memref<4x64x128xf32, #tpu.memory_space<vmem>>, vector<1x1x16xf32>,
      %get3A_434 = vector.shape_cast %get3A_433 : vector<1x1x16xf32> to vector<16xf32>
      %get3A_435 = arith.index_cast %scan3A_376 : i32 to index
      %get3A_436 = arith.constant 48 : index
      %get3A_437 = tpu.vector_load %arg7[%get3A_435, %get3A_436] {strides = array<i32>} : memref<64x128xf32, #tpu.memory_space<vmem>>, vector<1x16xf32>,
      %get3A_438 = vector.shape_cast %get3A_437 : vector<1x16xf32> to vector<16xf32>
      %add3A_439 = arith.addf %get3A_434, %get3A_438 : vector<16xf32>
      %swap3A_440 = arith.constant 1 : i32
      %swap3A_441 = arith.index_cast %swap3A_440 : i32 to index
      %swap3A_442 = arith.index_cast %scan3A_376 : i32 to index
      %swap3A_443 = arith.constant 48 : index
      %swap3A_444 = tpu.vector_load %arg8[%swap3A_441, %swap3A_442, %swap3A_443] {strides = array<i32>} : memref<4x64x128xf32, #tpu.memory_space<vmem>>, vector<1x1x16xf32>,
      %swap3A_445 = vector.shape_cast %swap3A_444 : vector<1x1x16xf32> to vector<16xf32>
      %swap3A_446 = vector.shape_cast %add3A_439 : vector<16xf32> to vector<1x1x16xf32>
      tpu.vector_store %arg8[%swap3A_441, %swap3A_442, %swap3A_443], %swap3A_446 {strides = array<i32>} : memref<4x64x128xf32, #tpu.memory_space<vmem>>, vector<1x1x16xf32>,
      %get3A_447 = arith.constant 1 : i32
      %get3A_448 = arith.index_cast %get3A_447 : i32 to index
      %get3A_449 = arith.index_cast %scan3A_376 : i32 to index
      %get3A_450 = arith.constant 64 : index
      %get3A_451 = tpu.vector_load %arg8[%get3A_448, %get3A_449, %get3A_450] {strides = array<i32>} : memref<4x64x128xf32, #tpu.memory_space<vmem>>, vector<1x1x16xf32>,
      %get3A_452 = vector.shape_cast %get3A_451 : vector<1x1x16xf32> to vector<16xf32>
      %get3A_453 = arith.index_cast %scan3A_376 : i32 to index
      %get3A_454 = arith.constant 64 : index
      %get3A_455 = tpu.vector_load %arg7[%get3A_453, %get3A_454] {strides = array<i32>} : memref<64x128xf32, #tpu.memory_space<vmem>>, vector<1x16xf32>,
      %get3A_456 = vector.shape_cast %get3A_455 : vector<1x16xf32> to vector<16xf32>
      %add3A_457 = arith.addf %get3A_452, %get3A_456 : vector<16xf32>
      %swap3A_458 = arith.constant 1 : i32
      %swap3A_459 = arith.index_cast %swap3A_458 : i32 to index
      %swap3A_460 = arith.index_cast %scan3A_376 : i32 to index
      %swap3A_461 = arith.constant 64 : index
      %swap3A_462 = tpu.vector_load %arg8[%swap3A_459, %swap3A_460, %swap3A_461] {strides = array<i32>} : memref<4x64x128xf32, #tpu.memory_space<vmem>>, vector<1x1x16xf32>,
      %swap3A_463 = vector.shape_cast %swap3A_462 : vector<1x1x16xf32> to vector<16xf32>
      %swap3A_464 = vector.shape_cast %add3A_457 : vector<16xf32> to vector<1x1x16xf32>
      tpu.vector_store %arg8[%swap3A_459, %swap3A_460, %swap3A_461], %swap3A_464 {strides = array<i32>} : memref<4x64x128xf32, #tpu.memory_space<vmem>>, vector<1x1x16xf32>,
      %get3A_465 = arith.constant 1 : i32
      %get3A_466 = arith.index_cast %get3A_465 : i32 to index
      %get3A_467 = arith.index_cast %scan3A_376 : i32 to index
      %get3A_468 = arith.constant 80 : index
      %get3A_469 = tpu.vector_load %arg8[%get3A_466, %get3A_467, %get3A_468] {strides = array<i32>} : memref<4x64x128xf32, #tpu.memory_space<vmem>>, vector<1x1x16xf32>,
      %get3A_470 = vector.shape_cast %get3A_469 : vector<1x1x16xf32> to vector<16xf32>
      %get3A_471 = arith.index_cast %scan3A_376 : i32 to index
      %get3A_472 = arith.constant 80 : index
      %get3A_473 = tpu.vector_load %arg7[%get3A_471, %get3A_472] {strides = array<i32>} : memref<64x128xf32, #tpu.memory_space<vmem>>, vector<1x16xf32>,
      %get3A_474 = vector.shape_cast %get3A_473 : vector<1x16xf32> to vector<16xf32>
      %add3A_475 = arith.addf %get3A_470, %get3A_474 : vector<16xf32>
      %swap3A_476 = arith.constant 1 : i32
      %swap3A_477 = arith.index_cast %swap3A_476 : i32 to index
      %swap3A_478 = arith.index_cast %scan3A_376 : i32 to index
      %swap3A_479 = arith.constant 80 : index
      %swap3A_480 = tpu.vector_load %arg8[%swap3A_477, %swap3A_478, %swap3A_479] {strides = array<i32>} : memref<4x64x128xf32, #tpu.memory_space<vmem>>, vector<1x1x16xf32>,
      %swap3A_481 = vector.shape_cast %swap3A_480 : vector<1x1x16xf32> to vector<16xf32>
      %swap3A_482 = vector.shape_cast %add3A_475 : vector<16xf32> to vector<1x1x16xf32>
      tpu.vector_store %arg8[%swap3A_477, %swap3A_478, %swap3A_479], %swap3A_482 {strides = array<i32>} : memref<4x64x128xf32, #tpu.memory_space<vmem>>, vector<1x1x16xf32>,
      %get3A_483 = arith.constant 1 : i32
      %get3A_484 = arith.index_cast %get3A_483 : i32 to index
      %get3A_485 = arith.index_cast %scan3A_376 : i32 to index
      %get3A_486 = arith.constant 96 : index
      %get3A_487 = tpu.vector_load %arg8[%get3A_484, %get3A_485, %get3A_486] {strides = array<i32>} : memref<4x64x128xf32, #tpu.memory_space<vmem>>, vector<1x1x16xf32>,
      %get3A_488 = vector.shape_cast %get3A_487 : vector<1x1x16xf32> to vector<16xf32>
      %get3A_489 = arith.index_cast %scan3A_376 : i32 to index
      %get3A_490 = arith.constant 96 : index
      %get3A_491 = tpu.vector_load %arg7[%get3A_489, %get3A_490] {strides = array<i32>} : memref<64x128xf32, #tpu.memory_space<vmem>>, vector<1x16xf32>,
      %get3A_492 = vector.shape_cast %get3A_491 : vector<1x16xf32> to vector<16xf32>
      %add3A_493 = arith.addf %get3A_488, %get3A_492 : vector<16xf32>
      %swap3A_494 = arith.constant 1 : i32
      %swap3A_495 = arith.index_cast %swap3A_494 : i32 to index
      %swap3A_496 = arith.index_cast %scan3A_376 : i32 to index
      %swap3A_497 = arith.constant 96 : index
      %swap3A_498 = tpu.vector_load %arg8[%swap3A_495, %swap3A_496, %swap3A_497] {strides = array<i32>} : memref<4x64x128xf32, #tpu.memory_space<vmem>>, vector<1x1x16xf32>,
      %swap3A_499 = vector.shape_cast %swap3A_498 : vector<1x1x16xf32> to vector<16xf32>
      %swap3A_500 = vector.shape_cast %add3A_493 : vector<16xf32> to vector<1x1x16xf32>
      tpu.vector_store %arg8[%swap3A_495, %swap3A_496, %swap3A_497], %swap3A_500 {strides = array<i32>} : memref<4x64x128xf32, #tpu.memory_space<vmem>>, vector<1x1x16xf32>,
      %get3A_501 = arith.constant 1 : i32
      %get3A_502 = arith.index_cast %get3A_501 : i32 to index
      %get3A_503 = arith.index_cast %scan3A_376 : i32 to index
      %get3A_504 = arith.constant 112 : index
      %get3A_505 = tpu.vector_load %arg8[%get3A_502, %get3A_503, %get3A_504] {strides = array<i32>} : memref<4x64x128xf32, #tpu.memory_space<vmem>>, vector<1x1x16xf32>,
      %get3A_506 = vector.shape_cast %get3A_505 : vector<1x1x16xf32> to vector<16xf32>
      %get3A_507 = arith.index_cast %scan3A_376 : i32 to index
      %get3A_508 = arith.constant 112 : index
      %get3A_509 = tpu.vector_load %arg7[%get3A_507, %get3A_508] {strides = array<i32>} : memref<64x128xf32, #tpu.memory_space<vmem>>, vector<1x16xf32>,
      %get3A_510 = vector.shape_cast %get3A_509 : vector<1x16xf32> to vector<16xf32>
      %add3A_511 = arith.addf %get3A_506, %get3A_510 : vector<16xf32>
      %swap3A_512 = arith.constant 1 : i32
      %swap3A_513 = arith.index_cast %swap3A_512 : i32 to index
      %swap3A_514 = arith.index_cast %scan3A_376 : i32 to index
      %swap3A_515 = arith.constant 112 : index
      %swap3A_516 = tpu.vector_load %arg8[%swap3A_513, %swap3A_514, %swap3A_515] {strides = array<i32>} : memref<4x64x128xf32, #tpu.memory_space<vmem>>, vector<1x1x16xf32>,
      %swap3A_517 = vector.shape_cast %swap3A_516 : vector<1x1x16xf32> to vector<16xf32>
      %swap3A_518 = vector.shape_cast %add3A_511 : vector<16xf32> to vector<1x1x16xf32>
      tpu.vector_store %arg8[%swap3A_513, %swap3A_514, %swap3A_515], %swap3A_518 {strides = array<i32>} : memref<4x64x128xf32, #tpu.memory_space<vmem>>, vector<1x1x16xf32>,
    }
    %scan3A_221 = arith.constant 64 : i32
    %dma_start3A_222 = arith.constant 1 : i32
    %dma_start3A_223 = arith.constant 1 : i32
    %dma_start3A_224 = arith.constant 0 : i32
    %dma_start3A_225 = arith.constant 0 : i32
    %dma_start3A_226 = tpu.memref_slice %arg8[%dma_start3A_222, %dma_start3A_224, %dma_start3A_225] : memref<4x64x128xf32, #tpu.memory_space<vmem>> -> memref<1x64x128xf32, #tpu.memory_space<vmem>>
    %dma_start3A_227 = tpu.memref_squeeze %dma_start3A_226 : memref<1x64x128xf32, #tpu.memory_space<vmem>> -> memref<64x128xf32, #tpu.memory_space<vmem>>
    %dma_start3A_228 = arith.constant 0 : i32
    %dma_start3A_229 = tpu.memref_slice %arg5[%dma_start3A_223, %mul3A_2, %dma_start3A_228] : memref<4x2048x128xf32, #tpu.memory_space<hbm>> -> memref<1x64x128xf32, #tpu.memory_space<hbm>>
    %dma_start3A_230 = tpu.memref_squeeze %dma_start3A_229 : memref<1x64x128xf32, #tpu.memory_space<hbm>> -> memref<64x128xf32, #tpu.memory_space<hbm>>
    %dma_start3A_231 = arith.constant 0 : i32
    %dma_start3A_232 = tpu.memref_slice %arg5[%dma_start3A_223, %mul3A_2, %dma_start3A_231] : memref<4x2048x128xf32, #tpu.memory_space<hbm>> -> memref<1x64x128xf32, #tpu.memory_space<hbm>>
    %dma_start3A_233 = tpu.memref_squeeze %dma_start3A_232 : memref<1x64x128xf32, #tpu.memory_space<hbm>> -> memref<64x128xf32, #tpu.memory_space<hbm>>
    %dma_start3A_234 = arith.constant 0 : i32
    %dma_start3A_235 = arith.constant 0 : i32
    %dma_start3A_236 = tpu.memref_slice %arg8[%dma_start3A_222, %dma_start3A_234, %dma_start3A_235] : memref<4x64x128xf32, #tpu.memory_space<vmem>> -> memref<1x64x128xf32, #tpu.memory_space<vmem>>
    %dma_start3A_237 = tpu.memref_squeeze %dma_start3A_236 : memref<1x64x128xf32, #tpu.memory_space<vmem>> -> memref<64x128xf32, #tpu.memory_space<vmem>>
    tpu.enqueue_dma source(%dma_start3A_237 : memref<64x128xf32, #tpu.memory_space<vmem>>) target(%dma_start3A_233 : memref<64x128xf32, #tpu.memory_space<hbm>>) target_semaphore(%arg12 : memref<!tpu.dma_semaphore, #tpu.memory_space<semaphore_mem>>)
    %dma_wait3A_238 = arith.constant 2 : i32
    %dma_wait3A_239 = arith.constant 2 : i32
    %dma_wait3A_240 = arith.constant 2 : i32
    %dma_wait3A_241 = arith.constant 0 : i32
    %dma_wait3A_242 = arith.constant 0 : i32
    %dma_wait3A_243 = tpu.memref_slice %arg8[%dma_wait3A_239, %dma_wait3A_241, %dma_wait3A_242] : memref<4x64x128xf32, #tpu.memory_space<vmem>> -> memref<1x64x128xf32, #tpu.memory_space<vmem>>
    %dma_wait3A_244 = tpu.memref_squeeze %dma_wait3A_243 : memref<1x64x128xf32, #tpu.memory_space<vmem>> -> memref<64x128xf32, #tpu.memory_space<vmem>>
    %dma_wait3A_245 = arith.constant 0 : i32
    %dma_wait3A_246 = tpu.memref_slice %arg6[%dma_wait3A_238, %dma_wait3A_245] : memref<4x64xi32, #tpu.memory_space<vmem>> -> memref<1x64xi32, #tpu.memory_space<vmem>>
    %dma_wait3A_247 = tpu.memref_squeeze %dma_wait3A_246 : memref<1x64xi32, #tpu.memory_space<vmem>> -> memref<64xi32, #tpu.memory_space<vmem>>
    %dma_wait3A_248 = arith.constant 0 : i32
    %dma_wait3A_249 = arith.constant 0 : i32
    %dma_wait3A_250 = tpu.memref_slice %arg3[%dma_wait3A_248, %dma_wait3A_249] : memref<100000x128xf32, #tpu.memory_space<hbm>> -> memref<100000x128xf32, #tpu.memory_space<hbm>>
    %dma_wait3A_251 = tpu.memref_slice %arg11[%dma_wait3A_240] : memref<4x!tpu.dma_semaphore, #tpu.memory_space<semaphore_mem>> -> memref<1x!tpu.dma_semaphore, #tpu.memory_space<semaphore_mem>>
    %dma_wait3A_252 = tpu.memref_squeeze %dma_wait3A_251 : memref<1x!tpu.dma_semaphore, #tpu.memory_space<semaphore_mem>> -> memref<!tpu.dma_semaphore, #tpu.memory_space<semaphore_mem>>
    tpu.wait_indirect_dma semaphore(%dma_wait3A_252 : memref<!tpu.dma_semaphore, #tpu.memory_space<semaphore_mem>>) src(%dma_wait3A_250 : memref<100000x128xf32, #tpu.memory_space<hbm>>) dst(%dma_wait3A_244 : memref<64x128xf32, #tpu.memory_space<vmem>>)
    %scan3A_253 = arith.constant 0 : i32
    %scan3A_254 = arith.constant 0 : i32
    %scan3A_255 = arith.constant 64 : i32
    %scan3A_256 = arith.addi %scan3A_254, %scan3A_255 : i32
    %scan3A_257 = arith.constant 1 : i32
    scf.for %scan3A_376 = %scan3A_254 to %scan3A_256 step %scan3A_257  : i32 {
      %get3A = arith.constant 2 : i32
      %get3A_377 = arith.index_cast %get3A : i32 to index
      %get3A_378 = arith.index_cast %scan3A_376 : i32 to index
      %get3A_379 = arith.constant 0 : index
      %get3A_380 = tpu.vector_load %arg8[%get3A_377, %get3A_378, %get3A_379] {strides = array<i32>} : memref<4x64x128xf32, #tpu.memory_space<vmem>>, vector<1x1x16xf32>,
      %get3A_381 = vector.shape_cast %get3A_380 : vector<1x1x16xf32> to vector<16xf32>
      %get3A_382 = arith.index_cast %scan3A_376 : i32 to index
      %get3A_383 = arith.constant 0 : index
      %get3A_384 = tpu.vector_load %arg7[%get3A_382, %get3A_383] {strides = array<i32>} : memref<64x128xf32, #tpu.memory_space<vmem>>, vector<1x16xf32>,
      %get3A_385 = vector.shape_cast %get3A_384 : vector<1x16xf32> to vector<16xf32>
      %add3A_386 = arith.addf %get3A_381, %get3A_385 : vector<16xf32>
      %swap3A = arith.constant 2 : i32
      %swap3A_387 = arith.index_cast %swap3A : i32 to index
      %swap3A_388 = arith.index_cast %scan3A_376 : i32 to index
      %swap3A_389 = arith.constant 0 : index
      %swap3A_390 = tpu.vector_load %arg8[%swap3A_387, %swap3A_388, %swap3A_389] {strides = array<i32>} : memref<4x64x128xf32, #tpu.memory_space<vmem>>, vector<1x1x16xf32>,
      %swap3A_391 = vector.shape_cast %swap3A_390 : vector<1x1x16xf32> to vector<16xf32>
      %swap3A_392 = vector.shape_cast %add3A_386 : vector<16xf32> to vector<1x1x16xf32>
      tpu.vector_store %arg8[%swap3A_387, %swap3A_388, %swap3A_389], %swap3A_392 {strides = array<i32>} : memref<4x64x128xf32, #tpu.memory_space<vmem>>, vector<1x1x16xf32>,
      %get3A_393 = arith.constant 2 : i32
      %get3A_394 = arith.index_cast %get3A_393 : i32 to index
      %get3A_395 = arith.index_cast %scan3A_376 : i32 to index
      %get3A_396 = arith.constant 16 : index
      %get3A_397 = tpu.vector_load %arg8[%get3A_394, %get3A_395, %get3A_396] {strides = array<i32>} : memref<4x64x128xf32, #tpu.memory_space<vmem>>, vector<1x1x16xf32>,
      %get3A_398 = vector.shape_cast %get3A_397 : vector<1x1x16xf32> to vector<16xf32>
      %get3A_399 = arith.index_cast %scan3A_376 : i32 to index
      %get3A_400 = arith.constant 16 : index
      %get3A_401 = tpu.vector_load %arg7[%get3A_399, %get3A_400] {strides = array<i32>} : memref<64x128xf32, #tpu.memory_space<vmem>>, vector<1x16xf32>,
      %get3A_402 = vector.shape_cast %get3A_401 : vector<1x16xf32> to vector<16xf32>
      %add3A_403 = arith.addf %get3A_398, %get3A_402 : vector<16xf32>
      %swap3A_404 = arith.constant 2 : i32
      %swap3A_405 = arith.index_cast %swap3A_404 : i32 to index
      %swap3A_406 = arith.index_cast %scan3A_376 : i32 to index
      %swap3A_407 = arith.constant 16 : index
      %swap3A_408 = tpu.vector_load %arg8[%swap3A_405, %swap3A_406, %swap3A_407] {strides = array<i32>} : memref<4x64x128xf32, #tpu.memory_space<vmem>>, vector<1x1x16xf32>,
      %swap3A_409 = vector.shape_cast %swap3A_408 : vector<1x1x16xf32> to vector<16xf32>
      %swap3A_410 = vector.shape_cast %add3A_403 : vector<16xf32> to vector<1x1x16xf32>
      tpu.vector_store %arg8[%swap3A_405, %swap3A_406, %swap3A_407], %swap3A_410 {strides = array<i32>} : memref<4x64x128xf32, #tpu.memory_space<vmem>>, vector<1x1x16xf32>,
      %get3A_411 = arith.constant 2 : i32
      %get3A_412 = arith.index_cast %get3A_411 : i32 to index
      %get3A_413 = arith.index_cast %scan3A_376 : i32 to index
      %get3A_414 = arith.constant 32 : index
      %get3A_415 = tpu.vector_load %arg8[%get3A_412, %get3A_413, %get3A_414] {strides = array<i32>} : memref<4x64x128xf32, #tpu.memory_space<vmem>>, vector<1x1x16xf32>,
      %get3A_416 = vector.shape_cast %get3A_415 : vector<1x1x16xf32> to vector<16xf32>
      %get3A_417 = arith.index_cast %scan3A_376 : i32 to index
      %get3A_418 = arith.constant 32 : index
      %get3A_419 = tpu.vector_load %arg7[%get3A_417, %get3A_418] {strides = array<i32>} : memref<64x128xf32, #tpu.memory_space<vmem>>, vector<1x16xf32>,
      %get3A_420 = vector.shape_cast %get3A_419 : vector<1x16xf32> to vector<16xf32>
      %add3A_421 = arith.addf %get3A_416, %get3A_420 : vector<16xf32>
      %swap3A_422 = arith.constant 2 : i32
      %swap3A_423 = arith.index_cast %swap3A_422 : i32 to index
      %swap3A_424 = arith.index_cast %scan3A_376 : i32 to index
      %swap3A_425 = arith.constant 32 : index
      %swap3A_426 = tpu.vector_load %arg8[%swap3A_423, %swap3A_424, %swap3A_425] {strides = array<i32>} : memref<4x64x128xf32, #tpu.memory_space<vmem>>, vector<1x1x16xf32>,
      %swap3A_427 = vector.shape_cast %swap3A_426 : vector<1x1x16xf32> to vector<16xf32>
      %swap3A_428 = vector.shape_cast %add3A_421 : vector<16xf32> to vector<1x1x16xf32>
      tpu.vector_store %arg8[%swap3A_423, %swap3A_424, %swap3A_425], %swap3A_428 {strides = array<i32>} : memref<4x64x128xf32, #tpu.memory_space<vmem>>, vector<1x1x16xf32>,
      %get3A_429 = arith.constant 2 : i32
      %get3A_430 = arith.index_cast %get3A_429 : i32 to index
      %get3A_431 = arith.index_cast %scan3A_376 : i32 to index
      %get3A_432 = arith.constant 48 : index
      %get3A_433 = tpu.vector_load %arg8[%get3A_430, %get3A_431, %get3A_432] {strides = array<i32>} : memref<4x64x128xf32, #tpu.memory_space<vmem>>, vector<1x1x16xf32>,
      %get3A_434 = vector.shape_cast %get3A_433 : vector<1x1x16xf32> to vector<16xf32>
      %get3A_435 = arith.index_cast %scan3A_376 : i32 to index
      %get3A_436 = arith.constant 48 : index
      %get3A_437 = tpu.vector_load %arg7[%get3A_435, %get3A_436] {strides = array<i32>} : memref<64x128xf32, #tpu.memory_space<vmem>>, vector<1x16xf32>,
      %get3A_438 = vector.shape_cast %get3A_437 : vector<1x16xf32> to vector<16xf32>
      %add3A_439 = arith.addf %get3A_434, %get3A_438 : vector<16xf32>
      %swap3A_440 = arith.constant 2 : i32
      %swap3A_441 = arith.index_cast %swap3A_440 : i32 to index
      %swap3A_442 = arith.index_cast %scan3A_376 : i32 to index
      %swap3A_443 = arith.constant 48 : index
      %swap3A_444 = tpu.vector_load %arg8[%swap3A_441, %swap3A_442, %swap3A_443] {strides = array<i32>} : memref<4x64x128xf32, #tpu.memory_space<vmem>>, vector<1x1x16xf32>,
      %swap3A_445 = vector.shape_cast %swap3A_444 : vector<1x1x16xf32> to vector<16xf32>
      %swap3A_446 = vector.shape_cast %add3A_439 : vector<16xf32> to vector<1x1x16xf32>
      tpu.vector_store %arg8[%swap3A_441, %swap3A_442, %swap3A_443], %swap3A_446 {strides = array<i32>} : memref<4x64x128xf32, #tpu.memory_space<vmem>>, vector<1x1x16xf32>,
      %get3A_447 = arith.constant 2 : i32
      %get3A_448 = arith.index_cast %get3A_447 : i32 to index
      %get3A_449 = arith.index_cast %scan3A_376 : i32 to index
      %get3A_450 = arith.constant 64 : index
      %get3A_451 = tpu.vector_load %arg8[%get3A_448, %get3A_449, %get3A_450] {strides = array<i32>} : memref<4x64x128xf32, #tpu.memory_space<vmem>>, vector<1x1x16xf32>,
      %get3A_452 = vector.shape_cast %get3A_451 : vector<1x1x16xf32> to vector<16xf32>
      %get3A_453 = arith.index_cast %scan3A_376 : i32 to index
      %get3A_454 = arith.constant 64 : index
      %get3A_455 = tpu.vector_load %arg7[%get3A_453, %get3A_454] {strides = array<i32>} : memref<64x128xf32, #tpu.memory_space<vmem>>, vector<1x16xf32>,
      %get3A_456 = vector.shape_cast %get3A_455 : vector<1x16xf32> to vector<16xf32>
      %add3A_457 = arith.addf %get3A_452, %get3A_456 : vector<16xf32>
      %swap3A_458 = arith.constant 2 : i32
      %swap3A_459 = arith.index_cast %swap3A_458 : i32 to index
      %swap3A_460 = arith.index_cast %scan3A_376 : i32 to index
      %swap3A_461 = arith.constant 64 : index
      %swap3A_462 = tpu.vector_load %arg8[%swap3A_459, %swap3A_460, %swap3A_461] {strides = array<i32>} : memref<4x64x128xf32, #tpu.memory_space<vmem>>, vector<1x1x16xf32>,
      %swap3A_463 = vector.shape_cast %swap3A_462 : vector<1x1x16xf32> to vector<16xf32>
      %swap3A_464 = vector.shape_cast %add3A_457 : vector<16xf32> to vector<1x1x16xf32>
      tpu.vector_store %arg8[%swap3A_459, %swap3A_460, %swap3A_461], %swap3A_464 {strides = array<i32>} : memref<4x64x128xf32, #tpu.memory_space<vmem>>, vector<1x1x16xf32>,
      %get3A_465 = arith.constant 2 : i32
      %get3A_466 = arith.index_cast %get3A_465 : i32 to index
      %get3A_467 = arith.index_cast %scan3A_376 : i32 to index
      %get3A_468 = arith.constant 80 : index
      %get3A_469 = tpu.vector_load %arg8[%get3A_466, %get3A_467, %get3A_468] {strides = array<i32>} : memref<4x64x128xf32, #tpu.memory_space<vmem>>, vector<1x1x16xf32>,
      %get3A_470 = vector.shape_cast %get3A_469 : vector<1x1x16xf32> to vector<16xf32>
      %get3A_471 = arith.index_cast %scan3A_376 : i32 to index
      %get3A_472 = arith.constant 80 : index
      %get3A_473 = tpu.vector_load %arg7[%get3A_471, %get3A_472] {strides = array<i32>} : memref<64x128xf32, #tpu.memory_space<vmem>>, vector<1x16xf32>,
      %get3A_474 = vector.shape_cast %get3A_473 : vector<1x16xf32> to vector<16xf32>
      %add3A_475 = arith.addf %get3A_470, %get3A_474 : vector<16xf32>
      %swap3A_476 = arith.constant 2 : i32
      %swap3A_477 = arith.index_cast %swap3A_476 : i32 to index
      %swap3A_478 = arith.index_cast %scan3A_376 : i32 to index
      %swap3A_479 = arith.constant 80 : index
      %swap3A_480 = tpu.vector_load %arg8[%swap3A_477, %swap3A_478, %swap3A_479] {strides = array<i32>} : memref<4x64x128xf32, #tpu.memory_space<vmem>>, vector<1x1x16xf32>,
      %swap3A_481 = vector.shape_cast %swap3A_480 : vector<1x1x16xf32> to vector<16xf32>
      %swap3A_482 = vector.shape_cast %add3A_475 : vector<16xf32> to vector<1x1x16xf32>
      tpu.vector_store %arg8[%swap3A_477, %swap3A_478, %swap3A_479], %swap3A_482 {strides = array<i32>} : memref<4x64x128xf32, #tpu.memory_space<vmem>>, vector<1x1x16xf32>,
      %get3A_483 = arith.constant 2 : i32
      %get3A_484 = arith.index_cast %get3A_483 : i32 to index
      %get3A_485 = arith.index_cast %scan3A_376 : i32 to index
      %get3A_486 = arith.constant 96 : index
      %get3A_487 = tpu.vector_load %arg8[%get3A_484, %get3A_485, %get3A_486] {strides = array<i32>} : memref<4x64x128xf32, #tpu.memory_space<vmem>>, vector<1x1x16xf32>,
      %get3A_488 = vector.shape_cast %get3A_487 : vector<1x1x16xf32> to vector<16xf32>
      %get3A_489 = arith.index_cast %scan3A_376 : i32 to index
      %get3A_490 = arith.constant 96 : index
      %get3A_491 = tpu.vector_load %arg7[%get3A_489, %get3A_490] {strides = array<i32>} : memref<64x128xf32, #tpu.memory_space<vmem>>, vector<1x16xf32>,
      %get3A_492 = vector.shape_cast %get3A_491 : vector<1x16xf32> to vector<16xf32>
      %add3A_493 = arith.addf %get3A_488, %get3A_492 : vector<16xf32>
      %swap3A_494 = arith.constant 2 : i32
      %swap3A_495 = arith.index_cast %swap3A_494 : i32 to index
      %swap3A_496 = arith.index_cast %scan3A_376 : i32 to index
      %swap3A_497 = arith.constant 96 : index
      %swap3A_498 = tpu.vector_load %arg8[%swap3A_495, %swap3A_496, %swap3A_497] {strides = array<i32>} : memref<4x64x128xf32, #tpu.memory_space<vmem>>, vector<1x1x16xf32>,
      %swap3A_499 = vector.shape_cast %swap3A_498 : vector<1x1x16xf32> to vector<16xf32>
      %swap3A_500 = vector.shape_cast %add3A_493 : vector<16xf32> to vector<1x1x16xf32>
      tpu.vector_store %arg8[%swap3A_495, %swap3A_496, %swap3A_497], %swap3A_500 {strides = array<i32>} : memref<4x64x128xf32, #tpu.memory_space<vmem>>, vector<1x1x16xf32>,
      %get3A_501 = arith.constant 2 : i32
      %get3A_502 = arith.index_cast %get3A_501 : i32 to index
      %get3A_503 = arith.index_cast %scan3A_376 : i32 to index
      %get3A_504 = arith.constant 112 : index
      %get3A_505 = tpu.vector_load %arg8[%get3A_502, %get3A_503, %get3A_504] {strides = array<i32>} : memref<4x64x128xf32, #tpu.memory_space<vmem>>, vector<1x1x16xf32>,
      %get3A_506 = vector.shape_cast %get3A_505 : vector<1x1x16xf32> to vector<16xf32>
      %get3A_507 = arith.index_cast %scan3A_376 : i32 to index
      %get3A_508 = arith.constant 112 : index
      %get3A_509 = tpu.vector_load %arg7[%get3A_507, %get3A_508] {strides = array<i32>} : memref<64x128xf32, #tpu.memory_space<vmem>>, vector<1x16xf32>,
      %get3A_510 = vector.shape_cast %get3A_509 : vector<1x16xf32> to vector<16xf32>
      %add3A_511 = arith.addf %get3A_506, %get3A_510 : vector<16xf32>
      %swap3A_512 = arith.constant 2 : i32
      %swap3A_513 = arith.index_cast %swap3A_512 : i32 to index
      %swap3A_514 = arith.index_cast %scan3A_376 : i32 to index
      %swap3A_515 = arith.constant 112 : index
      %swap3A_516 = tpu.vector_load %arg8[%swap3A_513, %swap3A_514, %swap3A_515] {strides = array<i32>} : memref<4x64x128xf32, #tpu.memory_space<vmem>>, vector<1x1x16xf32>,
      %swap3A_517 = vector.shape_cast %swap3A_516 : vector<1x1x16xf32> to vector<16xf32>
      %swap3A_518 = vector.shape_cast %add3A_511 : vector<16xf32> to vector<1x1x16xf32>
      tpu.vector_store %arg8[%swap3A_513, %swap3A_514, %swap3A_515], %swap3A_518 {strides = array<i32>} : memref<4x64x128xf32, #tpu.memory_space<vmem>>, vector<1x1x16xf32>,
    }
    %scan3A_258 = arith.constant 64 : i32
    %dma_start3A_259 = arith.constant 2 : i32
    %dma_start3A_260 = arith.constant 2 : i32
    %dma_start3A_261 = arith.constant 0 : i32
    %dma_start3A_262 = arith.constant 0 : i32
    %dma_start3A_263 = tpu.memref_slice %arg8[%dma_start3A_259, %dma_start3A_261, %dma_start3A_262] : memref<4x64x128xf32, #tpu.memory_space<vmem>> -> memref<1x64x128xf32, #tpu.memory_space<vmem>>
    %dma_start3A_264 = tpu.memref_squeeze %dma_start3A_263 : memref<1x64x128xf32, #tpu.memory_space<vmem>> -> memref<64x128xf32, #tpu.memory_space<vmem>>
    %dma_start3A_265 = arith.constant 0 : i32
    %dma_start3A_266 = tpu.memref_slice %arg5[%dma_start3A_260, %mul3A_2, %dma_start3A_265] : memref<4x2048x128xf32, #tpu.memory_space<hbm>> -> memref<1x64x128xf32, #tpu.memory_space<hbm>>
    %dma_start3A_267 = tpu.memref_squeeze %dma_start3A_266 : memref<1x64x128xf32, #tpu.memory_space<hbm>> -> memref<64x128xf32, #tpu.memory_space<hbm>>
    %dma_start3A_268 = arith.constant 0 : i32
    %dma_start3A_269 = tpu.memref_slice %arg5[%dma_start3A_260, %mul3A_2, %dma_start3A_268] : memref<4x2048x128xf32, #tpu.memory_space<hbm>> -> memref<1x64x128xf32, #tpu.memory_space<hbm>>
    %dma_start3A_270 = tpu.memref_squeeze %dma_start3A_269 : memref<1x64x128xf32, #tpu.memory_space<hbm>> -> memref<64x128xf32, #tpu.memory_space<hbm>>
    %dma_start3A_271 = arith.constant 0 : i32
    %dma_start3A_272 = arith.constant 0 : i32
    %dma_start3A_273 = tpu.memref_slice %arg8[%dma_start3A_259, %dma_start3A_271, %dma_start3A_272] : memref<4x64x128xf32, #tpu.memory_space<vmem>> -> memref<1x64x128xf32, #tpu.memory_space<vmem>>
    %dma_start3A_274 = tpu.memref_squeeze %dma_start3A_273 : memref<1x64x128xf32, #tpu.memory_space<vmem>> -> memref<64x128xf32, #tpu.memory_space<vmem>>
    tpu.enqueue_dma source(%dma_start3A_274 : memref<64x128xf32, #tpu.memory_space<vmem>>) target(%dma_start3A_270 : memref<64x128xf32, #tpu.memory_space<hbm>>) target_semaphore(%arg12 : memref<!tpu.dma_semaphore, #tpu.memory_space<semaphore_mem>>)
    %dma_wait3A_275 = arith.constant 3 : i32
    %dma_wait3A_276 = arith.constant 3 : i32
    %dma_wait3A_277 = arith.constant 3 : i32
    %dma_wait3A_278 = arith.constant 0 : i32
    %dma_wait3A_279 = arith.constant 0 : i32
    %dma_wait3A_280 = tpu.memref_slice %arg8[%dma_wait3A_276, %dma_wait3A_278, %dma_wait3A_279] : memref<4x64x128xf32, #tpu.memory_space<vmem>> -> memref<1x64x128xf32, #tpu.memory_space<vmem>>
    %dma_wait3A_281 = tpu.memref_squeeze %dma_wait3A_280 : memref<1x64x128xf32, #tpu.memory_space<vmem>> -> memref<64x128xf32, #tpu.memory_space<vmem>>
    %dma_wait3A_282 = arith.constant 0 : i32
    %dma_wait3A_283 = tpu.memref_slice %arg6[%dma_wait3A_275, %dma_wait3A_282] : memref<4x64xi32, #tpu.memory_space<vmem>> -> memref<1x64xi32, #tpu.memory_space<vmem>>
    %dma_wait3A_284 = tpu.memref_squeeze %dma_wait3A_283 : memref<1x64xi32, #tpu.memory_space<vmem>> -> memref<64xi32, #tpu.memory_space<vmem>>
    %dma_wait3A_285 = arith.constant 0 : i32
    %dma_wait3A_286 = arith.constant 0 : i32
    %dma_wait3A_287 = tpu.memref_slice %arg3[%dma_wait3A_285, %dma_wait3A_286] : memref<100000x128xf32, #tpu.memory_space<hbm>> -> memref<100000x128xf32, #tpu.memory_space<hbm>>
    %dma_wait3A_288 = tpu.memref_slice %arg11[%dma_wait3A_277] : memref<4x!tpu.dma_semaphore, #tpu.memory_space<semaphore_mem>> -> memref<1x!tpu.dma_semaphore, #tpu.memory_space<semaphore_mem>>
    %dma_wait3A_289 = tpu.memref_squeeze %dma_wait3A_288 : memref<1x!tpu.dma_semaphore, #tpu.memory_space<semaphore_mem>> -> memref<!tpu.dma_semaphore, #tpu.memory_space<semaphore_mem>>
    tpu.wait_indirect_dma semaphore(%dma_wait3A_289 : memref<!tpu.dma_semaphore, #tpu.memory_space<semaphore_mem>>) src(%dma_wait3A_287 : memref<100000x128xf32, #tpu.memory_space<hbm>>) dst(%dma_wait3A_281 : memref<64x128xf32, #tpu.memory_space<vmem>>)
    %scan3A_290 = arith.constant 0 : i32
    %scan3A_291 = arith.constant 0 : i32
    %scan3A_292 = arith.constant 64 : i32
    %scan3A_293 = arith.addi %scan3A_291, %scan3A_292 : i32
    %scan3A_294 = arith.constant 1 : i32
    scf.for %scan3A_376 = %scan3A_291 to %scan3A_293 step %scan3A_294  : i32 {
      %get3A = arith.constant 3 : i32
      %get3A_377 = arith.index_cast %get3A : i32 to index
      %get3A_378 = arith.index_cast %scan3A_376 : i32 to index
      %get3A_379 = arith.constant 0 : index
      %get3A_380 = tpu.vector_load %arg8[%get3A_377, %get3A_378, %get3A_379] {strides = array<i32>} : memref<4x64x128xf32, #tpu.memory_space<vmem>>, vector<1x1x16xf32>,
      %get3A_381 = vector.shape_cast %get3A_380 : vector<1x1x16xf32> to vector<16xf32>
      %get3A_382 = arith.index_cast %scan3A_376 : i32 to index
      %get3A_383 = arith.constant 0 : index
      %get3A_384 = tpu.vector_load %arg7[%get3A_382, %get3A_383] {strides = array<i32>} : memref<64x128xf32, #tpu.memory_space<vmem>>, vector<1x16xf32>,
      %get3A_385 = vector.shape_cast %get3A_384 : vector<1x16xf32> to vector<16xf32>
      %add3A_386 = arith.addf %get3A_381, %get3A_385 : vector<16xf32>
      %swap3A = arith.constant 3 : i32
      %swap3A_387 = arith.index_cast %swap3A : i32 to index
      %swap3A_388 = arith.index_cast %scan3A_376 : i32 to index
      %swap3A_389 = arith.constant 0 : index
      %swap3A_390 = tpu.vector_load %arg8[%swap3A_387, %swap3A_388, %swap3A_389] {strides = array<i32>} : memref<4x64x128xf32, #tpu.memory_space<vmem>>, vector<1x1x16xf32>,
      %swap3A_391 = vector.shape_cast %swap3A_390 : vector<1x1x16xf32> to vector<16xf32>
      %swap3A_392 = vector.shape_cast %add3A_386 : vector<16xf32> to vector<1x1x16xf32>
      tpu.vector_store %arg8[%swap3A_387, %swap3A_388, %swap3A_389], %swap3A_392 {strides = array<i32>} : memref<4x64x128xf32, #tpu.memory_space<vmem>>, vector<1x1x16xf32>,
      %get3A_393 = arith.constant 3 : i32
      %get3A_394 = arith.index_cast %get3A_393 : i32 to index
      %get3A_395 = arith.index_cast %scan3A_376 : i32 to index
      %get3A_396 = arith.constant 16 : index
      %get3A_397 = tpu.vector_load %arg8[%get3A_394, %get3A_395, %get3A_396] {strides = array<i32>} : memref<4x64x128xf32, #tpu.memory_space<vmem>>, vector<1x1x16xf32>,
      %get3A_398 = vector.shape_cast %get3A_397 : vector<1x1x16xf32> to vector<16xf32>
      %get3A_399 = arith.index_cast %scan3A_376 : i32 to index
      %get3A_400 = arith.constant 16 : index
      %get3A_401 = tpu.vector_load %arg7[%get3A_399, %get3A_400] {strides = array<i32>} : memref<64x128xf32, #tpu.memory_space<vmem>>, vector<1x16xf32>,
      %get3A_402 = vector.shape_cast %get3A_401 : vector<1x16xf32> to vector<16xf32>
      %add3A_403 = arith.addf %get3A_398, %get3A_402 : vector<16xf32>
      %swap3A_404 = arith.constant 3 : i32
      %swap3A_405 = arith.index_cast %swap3A_404 : i32 to index
      %swap3A_406 = arith.index_cast %scan3A_376 : i32 to index
      %swap3A_407 = arith.constant 16 : index
      %swap3A_408 = tpu.vector_load %arg8[%swap3A_405, %swap3A_406, %swap3A_407] {strides = array<i32>} : memref<4x64x128xf32, #tpu.memory_space<vmem>>, vector<1x1x16xf32>,
      %swap3A_409 = vector.shape_cast %swap3A_408 : vector<1x1x16xf32> to vector<16xf32>
      %swap3A_410 = vector.shape_cast %add3A_403 : vector<16xf32> to vector<1x1x16xf32>
      tpu.vector_store %arg8[%swap3A_405, %swap3A_406, %swap3A_407], %swap3A_410 {strides = array<i32>} : memref<4x64x128xf32, #tpu.memory_space<vmem>>, vector<1x1x16xf32>,
      %get3A_411 = arith.constant 3 : i32
      %get3A_412 = arith.index_cast %get3A_411 : i32 to index
      %get3A_413 = arith.index_cast %scan3A_376 : i32 to index
      %get3A_414 = arith.constant 32 : index
      %get3A_415 = tpu.vector_load %arg8[%get3A_412, %get3A_413, %get3A_414] {strides = array<i32>} : memref<4x64x128xf32, #tpu.memory_space<vmem>>, vector<1x1x16xf32>,
      %get3A_416 = vector.shape_cast %get3A_415 : vector<1x1x16xf32> to vector<16xf32>
      %get3A_417 = arith.index_cast %scan3A_376 : i32 to index
      %get3A_418 = arith.constant 32 : index
      %get3A_419 = tpu.vector_load %arg7[%get3A_417, %get3A_418] {strides = array<i32>} : memref<64x128xf32, #tpu.memory_space<vmem>>, vector<1x16xf32>,
      %get3A_420 = vector.shape_cast %get3A_419 : vector<1x16xf32> to vector<16xf32>
      %add3A_421 = arith.addf %get3A_416, %get3A_420 : vector<16xf32>
      %swap3A_422 = arith.constant 3 : i32
      %swap3A_423 = arith.index_cast %swap3A_422 : i32 to index
      %swap3A_424 = arith.index_cast %scan3A_376 : i32 to index
      %swap3A_425 = arith.constant 32 : index
      %swap3A_426 = tpu.vector_load %arg8[%swap3A_423, %swap3A_424, %swap3A_425] {strides = array<i32>} : memref<4x64x128xf32, #tpu.memory_space<vmem>>, vector<1x1x16xf32>,
      %swap3A_427 = vector.shape_cast %swap3A_426 : vector<1x1x16xf32> to vector<16xf32>
      %swap3A_428 = vector.shape_cast %add3A_421 : vector<16xf32> to vector<1x1x16xf32>
      tpu.vector_store %arg8[%swap3A_423, %swap3A_424, %swap3A_425], %swap3A_428 {strides = array<i32>} : memref<4x64x128xf32, #tpu.memory_space<vmem>>, vector<1x1x16xf32>,
      %get3A_429 = arith.constant 3 : i32
      %get3A_430 = arith.index_cast %get3A_429 : i32 to index
      %get3A_431 = arith.index_cast %scan3A_376 : i32 to index
      %get3A_432 = arith.constant 48 : index
      %get3A_433 = tpu.vector_load %arg8[%get3A_430, %get3A_431, %get3A_432] {strides = array<i32>} : memref<4x64x128xf32, #tpu.memory_space<vmem>>, vector<1x1x16xf32>,
      %get3A_434 = vector.shape_cast %get3A_433 : vector<1x1x16xf32> to vector<16xf32>
      %get3A_435 = arith.index_cast %scan3A_376 : i32 to index
      %get3A_436 = arith.constant 48 : index
      %get3A_437 = tpu.vector_load %arg7[%get3A_435, %get3A_436] {strides = array<i32>} : memref<64x128xf32, #tpu.memory_space<vmem>>, vector<1x16xf32>,
      %get3A_438 = vector.shape_cast %get3A_437 : vector<1x16xf32> to vector<16xf32>
      %add3A_439 = arith.addf %get3A_434, %get3A_438 : vector<16xf32>
      %swap3A_440 = arith.constant 3 : i32
      %swap3A_441 = arith.index_cast %swap3A_440 : i32 to index
      %swap3A_442 = arith.index_cast %scan3A_376 : i32 to index
      %swap3A_443 = arith.constant 48 : index
      %swap3A_444 = tpu.vector_load %arg8[%swap3A_441, %swap3A_442, %swap3A_443] {strides = array<i32>} : memref<4x64x128xf32, #tpu.memory_space<vmem>>, vector<1x1x16xf32>,
      %swap3A_445 = vector.shape_cast %swap3A_444 : vector<1x1x16xf32> to vector<16xf32>
      %swap3A_446 = vector.shape_cast %add3A_439 : vector<16xf32> to vector<1x1x16xf32>
      tpu.vector_store %arg8[%swap3A_441, %swap3A_442, %swap3A_443], %swap3A_446 {strides = array<i32>} : memref<4x64x128xf32, #tpu.memory_space<vmem>>, vector<1x1x16xf32>,
      %get3A_447 = arith.constant 3 : i32
      %get3A_448 = arith.index_cast %get3A_447 : i32 to index
      %get3A_449 = arith.index_cast %scan3A_376 : i32 to index
      %get3A_450 = arith.constant 64 : index
      %get3A_451 = tpu.vector_load %arg8[%get3A_448, %get3A_449, %get3A_450] {strides = array<i32>} : memref<4x64x128xf32, #tpu.memory_space<vmem>>, vector<1x1x16xf32>,
      %get3A_452 = vector.shape_cast %get3A_451 : vector<1x1x16xf32> to vector<16xf32>
      %get3A_453 = arith.index_cast %scan3A_376 : i32 to index
      %get3A_454 = arith.constant 64 : index
      %get3A_455 = tpu.vector_load %arg7[%get3A_453, %get3A_454] {strides = array<i32>} : memref<64x128xf32, #tpu.memory_space<vmem>>, vector<1x16xf32>,
      %get3A_456 = vector.shape_cast %get3A_455 : vector<1x16xf32> to vector<16xf32>
      %add3A_457 = arith.addf %get3A_452, %get3A_456 : vector<16xf32>
      %swap3A_458 = arith.constant 3 : i32
      %swap3A_459 = arith.index_cast %swap3A_458 : i32 to index
      %swap3A_460 = arith.index_cast %scan3A_376 : i32 to index
      %swap3A_461 = arith.constant 64 : index
      %swap3A_462 = tpu.vector_load %arg8[%swap3A_459, %swap3A_460, %swap3A_461] {strides = array<i32>} : memref<4x64x128xf32, #tpu.memory_space<vmem>>, vector<1x1x16xf32>,
      %swap3A_463 = vector.shape_cast %swap3A_462 : vector<1x1x16xf32> to vector<16xf32>
      %swap3A_464 = vector.shape_cast %add3A_457 : vector<16xf32> to vector<1x1x16xf32>
      tpu.vector_store %arg8[%swap3A_459, %swap3A_460, %swap3A_461], %swap3A_464 {strides = array<i32>} : memref<4x64x128xf32, #tpu.memory_space<vmem>>, vector<1x1x16xf32>,
      %get3A_465 = arith.constant 3 : i32
      %get3A_466 = arith.index_cast %get3A_465 : i32 to index
      %get3A_467 = arith.index_cast %scan3A_376 : i32 to index
      %get3A_468 = arith.constant 80 : index
      %get3A_469 = tpu.vector_load %arg8[%get3A_466, %get3A_467, %get3A_468] {strides = array<i32>} : memref<4x64x128xf32, #tpu.memory_space<vmem>>, vector<1x1x16xf32>,
      %get3A_470 = vector.shape_cast %get3A_469 : vector<1x1x16xf32> to vector<16xf32>
      %get3A_471 = arith.index_cast %scan3A_376 : i32 to index
      %get3A_472 = arith.constant 80 : index
      %get3A_473 = tpu.vector_load %arg7[%get3A_471, %get3A_472] {strides = array<i32>} : memref<64x128xf32, #tpu.memory_space<vmem>>, vector<1x16xf32>,
      %get3A_474 = vector.shape_cast %get3A_473 : vector<1x16xf32> to vector<16xf32>
      %add3A_475 = arith.addf %get3A_470, %get3A_474 : vector<16xf32>
      %swap3A_476 = arith.constant 3 : i32
      %swap3A_477 = arith.index_cast %swap3A_476 : i32 to index
      %swap3A_478 = arith.index_cast %scan3A_376 : i32 to index
      %swap3A_479 = arith.constant 80 : index
      %swap3A_480 = tpu.vector_load %arg8[%swap3A_477, %swap3A_478, %swap3A_479] {strides = array<i32>} : memref<4x64x128xf32, #tpu.memory_space<vmem>>, vector<1x1x16xf32>,
      %swap3A_481 = vector.shape_cast %swap3A_480 : vector<1x1x16xf32> to vector<16xf32>
      %swap3A_482 = vector.shape_cast %add3A_475 : vector<16xf32> to vector<1x1x16xf32>
      tpu.vector_store %arg8[%swap3A_477, %swap3A_478, %swap3A_479], %swap3A_482 {strides = array<i32>} : memref<4x64x128xf32, #tpu.memory_space<vmem>>, vector<1x1x16xf32>,
      %get3A_483 = arith.constant 3 : i32
      %get3A_484 = arith.index_cast %get3A_483 : i32 to index
      %get3A_485 = arith.index_cast %scan3A_376 : i32 to index
      %get3A_486 = arith.constant 96 : index
      %get3A_487 = tpu.vector_load %arg8[%get3A_484, %get3A_485, %get3A_486] {strides = array<i32>} : memref<4x64x128xf32, #tpu.memory_space<vmem>>, vector<1x1x16xf32>,
      %get3A_488 = vector.shape_cast %get3A_487 : vector<1x1x16xf32> to vector<16xf32>
      %get3A_489 = arith.index_cast %scan3A_376 : i32 to index
      %get3A_490 = arith.constant 96 : index
      %get3A_491 = tpu.vector_load %arg7[%get3A_489, %get3A_490] {strides = array<i32>} : memref<64x128xf32, #tpu.memory_space<vmem>>, vector<1x16xf32>,
      %get3A_492 = vector.shape_cast %get3A_491 : vector<1x16xf32> to vector<16xf32>
      %add3A_493 = arith.addf %get3A_488, %get3A_492 : vector<16xf32>
      %swap3A_494 = arith.constant 3 : i32
      %swap3A_495 = arith.index_cast %swap3A_494 : i32 to index
      %swap3A_496 = arith.index_cast %scan3A_376 : i32 to index
      %swap3A_497 = arith.constant 96 : index
      %swap3A_498 = tpu.vector_load %arg8[%swap3A_495, %swap3A_496, %swap3A_497] {strides = array<i32>} : memref<4x64x128xf32, #tpu.memory_space<vmem>>, vector<1x1x16xf32>,
      %swap3A_499 = vector.shape_cast %swap3A_498 : vector<1x1x16xf32> to vector<16xf32>
      %swap3A_500 = vector.shape_cast %add3A_493 : vector<16xf32> to vector<1x1x16xf32>
      tpu.vector_store %arg8[%swap3A_495, %swap3A_496, %swap3A_497], %swap3A_500 {strides = array<i32>} : memref<4x64x128xf32, #tpu.memory_space<vmem>>, vector<1x1x16xf32>,
      %get3A_501 = arith.constant 3 : i32
      %get3A_502 = arith.index_cast %get3A_501 : i32 to index
      %get3A_503 = arith.index_cast %scan3A_376 : i32 to index
      %get3A_504 = arith.constant 112 : index
      %get3A_505 = tpu.vector_load %arg8[%get3A_502, %get3A_503, %get3A_504] {strides = array<i32>} : memref<4x64x128xf32, #tpu.memory_space<vmem>>, vector<1x1x16xf32>,
      %get3A_506 = vector.shape_cast %get3A_505 : vector<1x1x16xf32> to vector<16xf32>
      %get3A_507 = arith.index_cast %scan3A_376 : i32 to index
      %get3A_508 = arith.constant 112 : index
      %get3A_509 = tpu.vector_load %arg7[%get3A_507, %get3A_508] {strides = array<i32>} : memref<64x128xf32, #tpu.memory_space<vmem>>, vector<1x16xf32>,
      %get3A_510 = vector.shape_cast %get3A_509 : vector<1x16xf32> to vector<16xf32>
      %add3A_511 = arith.addf %get3A_506, %get3A_510 : vector<16xf32>
      %swap3A_512 = arith.constant 3 : i32
      %swap3A_513 = arith.index_cast %swap3A_512 : i32 to index
      %swap3A_514 = arith.index_cast %scan3A_376 : i32 to index
      %swap3A_515 = arith.constant 112 : index
      %swap3A_516 = tpu.vector_load %arg8[%swap3A_513, %swap3A_514, %swap3A_515] {strides = array<i32>} : memref<4x64x128xf32, #tpu.memory_space<vmem>>, vector<1x1x16xf32>,
      %swap3A_517 = vector.shape_cast %swap3A_516 : vector<1x1x16xf32> to vector<16xf32>
      %swap3A_518 = vector.shape_cast %add3A_511 : vector<16xf32> to vector<1x1x16xf32>
      tpu.vector_store %arg8[%swap3A_513, %swap3A_514, %swap3A_515], %swap3A_518 {strides = array<i32>} : memref<4x64x128xf32, #tpu.memory_space<vmem>>, vector<1x1x16xf32>,
    }
    %scan3A_295 = arith.constant 64 : i32
    %dma_start3A_296 = arith.constant 3 : i32
    %dma_start3A_297 = arith.constant 3 : i32
    %dma_start3A_298 = arith.constant 0 : i32
    %dma_start3A_299 = arith.constant 0 : i32
    %dma_start3A_300 = tpu.memref_slice %arg8[%dma_start3A_296, %dma_start3A_298, %dma_start3A_299] : memref<4x64x128xf32, #tpu.memory_space<vmem>> -> memref<1x64x128xf32, #tpu.memory_space<vmem>>
    %dma_start3A_301 = tpu.memref_squeeze %dma_start3A_300 : memref<1x64x128xf32, #tpu.memory_space<vmem>> -> memref<64x128xf32, #tpu.memory_space<vmem>>
    %dma_start3A_302 = arith.constant 0 : i32
    %dma_start3A_303 = tpu.memref_slice %arg5[%dma_start3A_297, %mul3A_2, %dma_start3A_302] : memref<4x2048x128xf32, #tpu.memory_space<hbm>> -> memref<1x64x128xf32, #tpu.memory_space<hbm>>
    %dma_start3A_304 = tpu.memref_squeeze %dma_start3A_303 : memref<1x64x128xf32, #tpu.memory_space<hbm>> -> memref<64x128xf32, #tpu.memory_space<hbm>>
    %dma_start3A_305 = arith.constant 0 : i32
    %dma_start3A_306 = tpu.memref_slice %arg5[%dma_start3A_297, %mul3A_2, %dma_start3A_305] : memref<4x2048x128xf32, #tpu.memory_space<hbm>> -> memref<1x64x128xf32, #tpu.memory_space<hbm>>
    %dma_start3A_307 = tpu.memref_squeeze %dma_start3A_306 : memref<1x64x128xf32, #tpu.memory_space<hbm>> -> memref<64x128xf32, #tpu.memory_space<hbm>>
    %dma_start3A_308 = arith.constant 0 : i32
    %dma_start3A_309 = arith.constant 0 : i32
    %dma_start3A_310 = tpu.memref_slice %arg8[%dma_start3A_296, %dma_start3A_308, %dma_start3A_309] : memref<4x64x128xf32, #tpu.memory_space<vmem>> -> memref<1x64x128xf32, #tpu.memory_space<vmem>>
    %dma_start3A_311 = tpu.memref_squeeze %dma_start3A_310 : memref<1x64x128xf32, #tpu.memory_space<vmem>> -> memref<64x128xf32, #tpu.memory_space<vmem>>
    tpu.enqueue_dma source(%dma_start3A_311 : memref<64x128xf32, #tpu.memory_space<vmem>>) target(%dma_start3A_307 : memref<64x128xf32, #tpu.memory_space<hbm>>) target_semaphore(%arg12 : memref<!tpu.dma_semaphore, #tpu.memory_space<semaphore_mem>>)
    %dma_wait3A_312 = arith.constant 0 : i32
    %dma_wait3A_313 = arith.constant 0 : i32
    %dma_wait3A_314 = arith.constant 0 : i32
    %dma_wait3A_315 = arith.constant 0 : i32
    %dma_wait3A_316 = tpu.memref_slice %arg8[%dma_wait3A_312, %dma_wait3A_314, %dma_wait3A_315] : memref<4x64x128xf32, #tpu.memory_space<vmem>> -> memref<1x64x128xf32, #tpu.memory_space<vmem>>
    %dma_wait3A_317 = tpu.memref_squeeze %dma_wait3A_316 : memref<1x64x128xf32, #tpu.memory_space<vmem>> -> memref<64x128xf32, #tpu.memory_space<vmem>>
    %dma_wait3A_318 = arith.constant 0 : i32
    %dma_wait3A_319 = tpu.memref_slice %arg5[%dma_wait3A_313, %mul3A_2, %dma_wait3A_318] : memref<4x2048x128xf32, #tpu.memory_space<hbm>> -> memref<1x64x128xf32, #tpu.memory_space<hbm>>
    %dma_wait3A_320 = tpu.memref_squeeze %dma_wait3A_319 : memref<1x64x128xf32, #tpu.memory_space<hbm>> -> memref<64x128xf32, #tpu.memory_space<hbm>>
    %dma_wait3A_321 = arith.constant 0 : i32
    %dma_wait3A_322 = tpu.memref_slice %arg5[%dma_wait3A_313, %mul3A_2, %dma_wait3A_321] : memref<4x2048x128xf32, #tpu.memory_space<hbm>> -> memref<1x64x128xf32, #tpu.memory_space<hbm>>
    %dma_wait3A_323 = tpu.memref_squeeze %dma_wait3A_322 : memref<1x64x128xf32, #tpu.memory_space<hbm>> -> memref<64x128xf32, #tpu.memory_space<hbm>>
    %dma_wait3A_324 = arith.constant 0 : i32
    %dma_wait3A_325 = arith.constant 0 : i32
    %dma_wait3A_326 = tpu.memref_slice %arg8[%dma_wait3A_312, %dma_wait3A_324, %dma_wait3A_325] : memref<4x64x128xf32, #tpu.memory_space<vmem>> -> memref<1x64x128xf32, #tpu.memory_space<vmem>>
    %dma_wait3A_327 = tpu.memref_squeeze %dma_wait3A_326 : memref<1x64x128xf32, #tpu.memory_space<vmem>> -> memref<64x128xf32, #tpu.memory_space<vmem>>
    tpu.wait_dma2 semaphore(%arg12 : memref<!tpu.dma_semaphore, #tpu.memory_space<semaphore_mem>>) src(%dma_wait3A_327 : memref<64x128xf32, #tpu.memory_space<vmem>>) dst(%dma_wait3A_323 : memref<64x128xf32, #tpu.memory_space<hbm>>)
    %dma_wait3A_328 = arith.constant 1 : i32
    %dma_wait3A_329 = arith.constant 1 : i32
    %dma_wait3A_330 = arith.constant 0 : i32
    %dma_wait3A_331 = arith.constant 0 : i32
    %dma_wait3A_332 = tpu.memref_slice %arg8[%dma_wait3A_328, %dma_wait3A_330, %dma_wait3A_331] : memref<4x64x128xf32, #tpu.memory_space<vmem>> -> memref<1x64x128xf32, #tpu.memory_space<vmem>>
    %dma_wait3A_333 = tpu.memref_squeeze %dma_wait3A_332 : memref<1x64x128xf32, #tpu.memory_space<vmem>> -> memref<64x128xf32, #tpu.memory_space<vmem>>
    %dma_wait3A_334 = arith.constant 0 : i32
    %dma_wait3A_335 = tpu.memref_slice %arg5[%dma_wait3A_329, %mul3A_2, %dma_wait3A_334] : memref<4x2048x128xf32, #tpu.memory_space<hbm>> -> memref<1x64x128xf32, #tpu.memory_space<hbm>>
    %dma_wait3A_336 = tpu.memref_squeeze %dma_wait3A_335 : memref<1x64x128xf32, #tpu.memory_space<hbm>> -> memref<64x128xf32, #tpu.memory_space<hbm>>
    %dma_wait3A_337 = arith.constant 0 : i32
    %dma_wait3A_338 = tpu.memref_slice %arg5[%dma_wait3A_329, %mul3A_2, %dma_wait3A_337] : memref<4x2048x128xf32, #tpu.memory_space<hbm>> -> memref<1x64x128xf32, #tpu.memory_space<hbm>>
    %dma_wait3A_339 = tpu.memref_squeeze %dma_wait3A_338 : memref<1x64x128xf32, #tpu.memory_space<hbm>> -> memref<64x128xf32, #tpu.memory_space<hbm>>
    %dma_wait3A_340 = arith.constant 0 : i32
    %dma_wait3A_341 = arith.constant 0 : i32
    %dma_wait3A_342 = tpu.memref_slice %arg8[%dma_wait3A_328, %dma_wait3A_340, %dma_wait3A_341] : memref<4x64x128xf32, #tpu.memory_space<vmem>> -> memref<1x64x128xf32, #tpu.memory_space<vmem>>
    %dma_wait3A_343 = tpu.memref_squeeze %dma_wait3A_342 : memref<1x64x128xf32, #tpu.memory_space<vmem>> -> memref<64x128xf32, #tpu.memory_space<vmem>>
    tpu.wait_dma2 semaphore(%arg12 : memref<!tpu.dma_semaphore, #tpu.memory_space<semaphore_mem>>) src(%dma_wait3A_343 : memref<64x128xf32, #tpu.memory_space<vmem>>) dst(%dma_wait3A_339 : memref<64x128xf32, #tpu.memory_space<hbm>>)
    %dma_wait3A_344 = arith.constant 2 : i32
    %dma_wait3A_345 = arith.constant 2 : i32
    %dma_wait3A_346 = arith.constant 0 : i32
    %dma_wait3A_347 = arith.constant 0 : i32
    %dma_wait3A_348 = tpu.memref_slice %arg8[%dma_wait3A_344, %dma_wait3A_346, %dma_wait3A_347] : memref<4x64x128xf32, #tpu.memory_space<vmem>> -> memref<1x64x128xf32, #tpu.memory_space<vmem>>
    %dma_wait3A_349 = tpu.memref_squeeze %dma_wait3A_348 : memref<1x64x128xf32, #tpu.memory_space<vmem>> -> memref<64x128xf32, #tpu.memory_space<vmem>>
    %dma_wait3A_350 = arith.constant 0 : i32
    %dma_wait3A_351 = tpu.memref_slice %arg5[%dma_wait3A_345, %mul3A_2, %dma_wait3A_350] : memref<4x2048x128xf32, #tpu.memory_space<hbm>> -> memref<1x64x128xf32, #tpu.memory_space<hbm>>
    %dma_wait3A_352 = tpu.memref_squeeze %dma_wait3A_351 : memref<1x64x128xf32, #tpu.memory_space<hbm>> -> memref<64x128xf32, #tpu.memory_space<hbm>>
    %dma_wait3A_353 = arith.constant 0 : i32
    %dma_wait3A_354 = tpu.memref_slice %arg5[%dma_wait3A_345, %mul3A_2, %dma_wait3A_353] : memref<4x2048x128xf32, #tpu.memory_space<hbm>> -> memref<1x64x128xf32, #tpu.memory_space<hbm>>
    %dma_wait3A_355 = tpu.memref_squeeze %dma_wait3A_354 : memref<1x64x128xf32, #tpu.memory_space<hbm>> -> memref<64x128xf32, #tpu.memory_space<hbm>>
    %dma_wait3A_356 = arith.constant 0 : i32
    %dma_wait3A_357 = arith.constant 0 : i32
    %dma_wait3A_358 = tpu.memref_slice %arg8[%dma_wait3A_344, %dma_wait3A_356, %dma_wait3A_357] : memref<4x64x128xf32, #tpu.memory_space<vmem>> -> memref<1x64x128xf32, #tpu.memory_space<vmem>>
    %dma_wait3A_359 = tpu.memref_squeeze %dma_wait3A_358 : memref<1x64x128xf32, #tpu.memory_space<vmem>> -> memref<64x128xf32, #tpu.memory_space<vmem>>
    tpu.wait_dma2 semaphore(%arg12 : memref<!tpu.dma_semaphore, #tpu.memory_space<semaphore_mem>>) src(%dma_wait3A_359 : memref<64x128xf32, #tpu.memory_space<vmem>>) dst(%dma_wait3A_355 : memref<64x128xf32, #tpu.memory_space<hbm>>)
    %dma_wait3A_360 = arith.constant 3 : i32
    %dma_wait3A_361 = arith.constant 3 : i32
    %dma_wait3A_362 = arith.constant 0 : i32
    %dma_wait3A_363 = arith.constant 0 : i32
    %dma_wait3A_364 = tpu.memref_slice %arg8[%dma_wait3A_360, %dma_wait3A_362, %dma_wait3A_363] : memref<4x64x128xf32, #tpu.memory_space<vmem>> -> memref<1x64x128xf32, #tpu.memory_space<vmem>>
    %dma_wait3A_365 = tpu.memref_squeeze %dma_wait3A_364 : memref<1x64x128xf32, #tpu.memory_space<vmem>> -> memref<64x128xf32, #tpu.memory_space<vmem>>
    %dma_wait3A_366 = arith.constant 0 : i32
    %dma_wait3A_367 = tpu.memref_slice %arg5[%dma_wait3A_361, %mul3A_2, %dma_wait3A_366] : memref<4x2048x128xf32, #tpu.memory_space<hbm>> -> memref<1x64x128xf32, #tpu.memory_space<hbm>>
    %dma_wait3A_368 = tpu.memref_squeeze %dma_wait3A_367 : memref<1x64x128xf32, #tpu.memory_space<hbm>> -> memref<64x128xf32, #tpu.memory_space<hbm>>
    %dma_wait3A_369 = arith.constant 0 : i32
    %dma_wait3A_370 = tpu.memref_slice %arg5[%dma_wait3A_361, %mul3A_2, %dma_wait3A_369] : memref<4x2048x128xf32, #tpu.memory_space<hbm>> -> memref<1x64x128xf32, #tpu.memory_space<hbm>>
    %dma_wait3A_371 = tpu.memref_squeeze %dma_wait3A_370 : memref<1x64x128xf32, #tpu.memory_space<hbm>> -> memref<64x128xf32, #tpu.memory_space<hbm>>
    %dma_wait3A_372 = arith.constant 0 : i32
    %dma_wait3A_373 = arith.constant 0 : i32
    %dma_wait3A_374 = tpu.memref_slice %arg8[%dma_wait3A_360, %dma_wait3A_372, %dma_wait3A_373] : memref<4x64x128xf32, #tpu.memory_space<vmem>> -> memref<1x64x128xf32, #tpu.memory_space<vmem>>
    %dma_wait3A_375 = tpu.memref_squeeze %dma_wait3A_374 : memref<1x64x128xf32, #tpu.memory_space<vmem>> -> memref<64x128xf32, #tpu.memory_space<vmem>>
    tpu.wait_dma2 semaphore(%arg12 : memref<!tpu.dma_semaphore, #tpu.memory_space<semaphore_mem>>) src(%dma_wait3A_375 : memref<64x128xf32, #tpu.memory_space<vmem>>) dst(%dma_wait3A_371 : memref<64x128xf32, #tpu.memory_space<hbm>>)
    return
  }
}

</mosaic_0001>

<sc_bundles>
// kernel: kernel.3.cloned.1.call-start
scs
__scs_entry_jumppad:
0x0: {  	(pc) =	sbr.rel $0x88, $3  }
0x1: {  	(tag) =	ssettag $0x0;
	lr =	simm.s32 $0x1  }
0x2: {  	[smem:$0x3F9E] =	sst lr;
	_ =	strace $0xD0000000  }
0x3: {  	_ = 	snop  }
0x4: {  	_ = 	snop  }
0x5: {  	_ = 	snop  }
0x6: {  	_ = 	snop  }
0x7: {  	_ = 	snop  }
__scs_overlays_trampoline_lowered:
0x8: {  	[smem:$0x3FAD] =	sst s0  }
0x9: {  	[smem:$0x3FAE] =	sst s1  }
0xa: {  	[smem:$0x3FAF] =	sst s2  }
0xb: {  	[smem:$0x3FB0] =	sst s3  }
0xc: {  	[smem:$0x3FB1] =	sst s4  }
0xd: {  	[smem:$0x3FB2] =	sst s5  }
0xe: {  	[smem:$0x3FB3] =	sst s6  }
0xf: {  	[smem:$0x3FB4] =	sst s7  }
0x10: {  	[smem:$0x3FB5] =	sst s8  }
0x11: {  	[smem:$0x3FB6] =	sst s9;
	s0 =	simm.s32 @!p0 $0x0  }
0x12: {  	s1 =	sld [smem:$0x3F9C];
	s0 =	simm.s32 @p0 $0x1  }
0x13: {  	[smem:$0x3FB7] =	sst s0;
	s0 =	simm.s32 @!p1 $0x0  }
0x14: {  	s2 =	sld [smem:$0x3F9B];
	s0 =	simm.s32 @p1 $0x1  }
0x15: {  	[smem:$0x3FB8] =	sst s0;
	s0 =	simm.s32 @!p2 $0x0  }
0x16: {  	s3 =	sld [smem:$0x3FDB];
	s0 =	simm.s32 @p2 $0x1  }
0x17: {  	s4 =	simm.s32 $0x1BF5;
	[smem:$0x3FBA] =	sst s0  }
0x18: {  	s0 =	sld [smem:$0x3F9D];
	_ =	swait.ge [sflag:s4], $0x0  }
0x19: {  	s7 =	sld [smem:$0x3F9E]  }
0x1a: {  	s8 =	sadd.s32 $0xFFFFE003, lr  }
0x1b: {  	s9 =	sadd.s32 $0xFFFFFEF7, lr;
	s5 =	simm.s32 $0xFFFFFFFF;
	p2 =	slt.u32 s8, $0xFFFFF086  }
0x1c: {  	p1 =	slt.u32 s9, $0xF7A;
	s5 =	simm.s32 @!p2 $0x0  }
0x1d: {  	s5 =	simm.s32 @p1 $0x1;
	p0 =	seq.s32 s7, s2  }
0x1e: {  	s7 =	smul.u32 @!p0 $0xF7A, s2;
	p2 =	seq.s32 @!p0 s5, $0x0  }
0x1f: {  	s9 =	smul.u32 $0xF7A, s1;
	s8 =	simm.s32 @!p0 $0x1BF5;
	p2 =	por !p2, p0  }
0x20: {  	[sflag:s8] =	ssyncset.s32 @!p0 $0xFFFFF086;
	s6 =	sadd.s32 @!p0 s3, s7;
	s7 =	simm.s32 @!p0 $0x108  }
0x21: {  	s3 =	sadd.s32 s3, s9;
	s6 =	sadd.s32 @!p0 $0x88, s6;
	s7 =	simm.s32 @p2 $0x1082  }
0x22: {  	[simem:s7], [sflag:s8] =	dma.local @!p0 [hbm:s6], $0xF7A  }
0x23: {  	s9 =	sor.u32 $0xD0000000, s2;
	s6 =	simm.s32 $0x108;
	_ =	swait.ge @!p0 [sflag:s8], $0x0  }
0x24: {  	s3 =	sadd.s32 $0x88, s3;
	s6 =	simm.s32 @!p1 $0x1082;
	[sflag:s4] =	ssyncset.s32 $0xFFFFF086  }
0x25: {  	[simem:s6], [sflag:s4] =	dma.local [hbm:s3], $0xF7A  }
0x26: {  	[smem:$0x3F9E] =	sst s1;
	(tag) =	ssettag s2;
	_ =	strace s9  }
0x27: {  	s1 =	sld [smem:$0x3FAE]  }
0x28: {  	s2 =	sld [smem:$0x3FAF]  }
0x29: {  	s4 =	sld [smem:$0x3FB1]  }
0x2a: {  	p0 =	seq.s32 s5, $0x0;
	s5 =	sld [smem:$0x3FB2]  }
0x2b: {  	s6 =	sld [smem:$0x3FB3]  }
0x2c: {  	s7 =	sld [smem:$0x3FB4]  }
0x2d: {  	s3 =	simm.s32 $0x108;
	s8 =	sld [smem:$0x3FB5]  }
0x2e: {  	s3 =	simm.s32 @!p0 $0x1082;
	s9 =	sld [smem:$0x3FB6]  }
0x2f: {  	lr =	sadd.s32 s0, s3;
	s0 =	sld [smem:$0x3FAD]  }
0x30: {  	s3 =	sld [smem:$0x3FB0]  }
0x31: {  	[smem:$0x3FB9] =	sst s10  }
0x32: {  	s10 =	sld [smem:$0x3FB7];
	_ =	sdelay $0x3  }
0x33: {  	p0 =	seq.s32 s10, $0x1;
	s10 =	sld [smem:$0x3FB9];
	_ =	sdelay $0x3  }
0x34: {  	[smem:$0x3FB9] =	sst s10  }
0x35: {  	s10 =	sld [smem:$0x3FB8];
	_ =	sdelay $0x3  }
0x36: {  	p1 =	seq.s32 s10, $0x1;
	s10 =	sld [smem:$0x3FB9];
	_ =	sdelay $0x3  }
0x37: {  	[smem:$0x3FB9] =	sst s10  }
0x38: {  	s10 =	sld [smem:$0x3FBA]  }
0x39: {  	_ = 	snop;
	(pc) =	sbr.ind lr, $3  }
0x3a: {  	_ = 	snop  }
0x3b: {  	_ = 	snop  }
0x3c: {  	p2 =	seq.s32 s10, $0x1;
	s10 =	sld [smem:$0x3FB9]  }
0x3d: {  	_ =	shalt  }
0x3e: {  	_ =	shalt  }
0x3f: {  	_ =	shalt  }
0x40: {  	_ =	shalt  }
0x41: {  	_ =	shalt  }
0x42: {  	_ =	shalt  }
0x43: {  	_ =	shalt  }
0x44: {  	_ =	shalt  }
0x45: {  	_ =	shalt  }
0x46: {  	_ =	shalt  }
0x47: {  	_ =	shalt  }
0x48: {  	_ =	shalt  }
0x49: {  	_ =	shalt  }
0x4a: {  	_ =	shalt  }
0x4b: {  	_ =	shalt  }
0x4c: {  	_ =	shalt  }
0x4d: {  	_ =	shalt  }
0x4e: {  	_ =	shalt  }
0x4f: {  	_ =	shalt  }
0x50: {  	_ =	shalt  }
0x51: {  	_ =	shalt  }
0x52: {  	_ =	shalt  }
0x53: {  	_ =	shalt  }
0x54: {  	_ =	shalt  }
0x55: {  	_ =	shalt  }
0x56: {  	_ =	shalt  }
0x57: {  	_ =	shalt  }
0x58: {  	_ =	shalt  }
0x59: {  	_ =	shalt  }
0x5a: {  	_ =	shalt  }
0x5b: {  	_ =	shalt  }
0x5c: {  	_ =	shalt  }
0x5d: {  	_ =	shalt  }
0x5e: {  	_ =	shalt  }
0x5f: {  	_ =	shalt  }
0x60: {  	_ =	shalt  }
0x61: {  	_ =	shalt  }
0x62: {  	_ =	shalt  }
0x63: {  	_ =	shalt  }
0x64: {  	_ =	shalt  }
0x65: {  	_ =	shalt  }
0x66: {  	_ =	shalt  }
0x67: {  	_ =	shalt  }
0x68: {  	_ =	shalt  }
0x69: {  	_ =	shalt  }
0x6a: {  	_ =	shalt  }
0x6b: {  	_ =	shalt  }
0x6c: {  	_ =	shalt  }
0x6d: {  	_ =	shalt  }
0x6e: {  	_ =	shalt  }
0x6f: {  	_ =	shalt  }
0x70: {  	_ =	shalt  }
0x71: {  	_ =	shalt  }
0x72: {  	_ =	shalt  }
0x73: {  	_ =	shalt  }
0x74: {  	_ =	shalt  }
0x75: {  	_ =	shalt  }
0x76: {  	_ =	shalt  }
0x77: {  	_ =	shalt  }
0x78: {  	_ =	shalt  }
0x79: {  	_ =	shalt  }
0x7a: {  	_ =	shalt  }
0x7b: {  	_ =	shalt  }
0x7c: {  	_ =	shalt  }
0x7d: {  	_ =	shalt  }
0x7e: {  	_ =	shalt  }
0x7f: {  	_ =	shalt  }
0x80: {  	_ =	shalt  }
0x81: {  	_ =	shalt  }
0x82: {  	_ =	shalt  }
0x83: {  	_ =	shalt  }
0x84: {  	_ =	shalt  }
0x85: {  	_ =	shalt  }
0x86: {  	_ =	shalt  }
0x87: {  	_ =	shalt  }
.Lfunc_end0:
.L_simem_size_0:
called_computation_lowered:
.L_overlay_start_0:
0x88: {  	s2 =	sld [smem:$0x3FD9]  }
0x89: {  	s3 =	sld [smem:$0x3FFE];
	_ =	sdelay $0x1  }
0x8a: {  	s1 =	srdreg.scid  }
0x8b: {  	s0 =	sand.u32 $0x1, s1  }
0x8c: {  	s18 =	sshll.u32 s0, $0xA;
	s2 =	sadd.s32 s3, s2  }
0x8d: {  	s2 =	sadd.s32 s2, s18  }
0x8e: {  	[smem:$0x3FC5] =	sst s2  }
0x8f: {  	_ = 	snop  }
0x90: {  	s2 =	sld [smem:$0x3FC9]  }
0x91: {  	s19 =	sld [smem:$0x3FC8]  }
0x92: {  	s4 =	sld [smem:$0x3FC7]  }
0x93: {  	s5 =	sld [smem:$0x3FD0];
	(tm) =	ssettm $0x1  }
0x94: {  	s6 =	sld [smem:$0x3FFB];
	_ =	sdelay $0x3  }
0x95: {  	_ =	strace s6  }
0x96: {  	s6 =	sld [smem:$0x3FFC];
	_ =	sdelay $0x3  }
0x97: {  	_ =	strace s6  }
0x98: {  	s6 =	sld [smem:$0x3FFD];
	_ =	sdelay $0x3  }
0x99: {  	_ =	strace s6  }
0x9a: {  	_ =	strace $0x8FFFFFFF  }
0x9b: {  	s20 =	sld [smem:$0x3FDB];
	_ =	sdelay $0x1  }
0x9c: {  	s7 =	simm.s32 $_scs_section_size  }
0x9d: {  	s8 =	simm.s32 $_size__tile_overlayer_lowered;
	s9 =	simm.s32 $_tile_overlayer_lowered  }
0x9e: {  	s23 =	simm.s32 $0x1BFF;
	s22 =	sshll.u32 s9, $0x1;
	s6 =	sadd.s32 s7, s20  }
0x9f: {  	s10 =	simm.s32 $0x0;
	s21 =	sshll.u32 s8, $0x1;
	s8 =	sadd.s32 s22, s6  }
0xa0: {  	[timem:s10], [sflag:s23] =	dma.local [hbm:s8], s21  }
0xa1: {  	_ =	swait.ge [sflag:s23], s21  }
0xa2: {  	s7 =	ssub.s32 $0x0, s21;
	[sflag:s23] =	ssyncset.done $0x0  }
0xa3: {  	[sflag:s23] =	ssyncadd.s32 s7;
	_ =	sdelay $0x1  }
0xa4: {  	s24 =	simm.s32 $0x1B8B  }
0xa5: {  	_ =	swait.ge [sflag:s24], $0x1  }
0xa6: {  	[sflag:s24] =	ssyncset.done $0x0  }
0xa7: {  	s25 =	simm.s32 $0x1B8E;
	[sflag:s24] =	ssyncadd.s32 $0xFFFFFFFF  }
0xa8: {  	s26 =	simm.s32 $execute0_lowered;
	[smem:$0x3FD2] =	sst s25  }
0xa9: {  	s7 =	sshll.u32 s26, $0x1;
	_ =	strace $0x80000046;
	[dreg:$0x1] =	wrdreg $0xFFFFFFFF  }
0xaa: {  	s28 =	simm.s32 $_size_execute0_lowered;
	s6 =	sadd.s32 s6, s7;
	[dreg:$0x0] =	wrdreg $0x0  }
0xab: {  	s7 =	sshll.u32 s28, $0x1;
	[dreg:$0x2] =	wrdreg s6  }
0xac: {  	[dreg:$0x3] =	wrdreg s7  }
0xad: {  	[dreg:$0x4] =	wrdreg $0xC0  }
0xae: {  	_ =	task [dreg:s10], $0x5FFFF  }
0xaf: {  	[dreg:$0x1] =	wrdreg $0xFFFFFFFF  }
0xb0: {  	[dreg:$0x0] =	wrdreg $0x60  }
0xb1: {  	[dreg:$0x2] =	wrdreg s2  }
0xb2: {  	[dreg:$0x3] =	wrdreg s19  }
0xb3: {  	[dreg:$0x4] =	wrdreg s4  }
0xb4: {  	[dreg:$0x5] =	wrdreg s5  }
0xb5: {  	[dreg:$0x6] =	wrdreg $0x9  }
0xb6: {  	_ =	task.clear_ibuf [dreg:s10], $0x7FFFF;
	_ =	strace $0x90000046  }
0xb7: {  	s29 =	simm.s32 $0x9;
	_ =	strace $0x80000048  }
0xb8: {  	_ =	swait.ge [sflag:s29], $0x1  }
0xb9: {  	[sflag:s29] =	ssyncadd.s32 $0xFFFFFFFF  }
0xba: {  	_ =	strace $0x90000048  }
0xbb: {  	_ =	sfence  }
0xbc: {  	s30 =	sld [smem:$0x0];
	_ =	sdelay $0x2  }
0xbd: {  	s31 =	sshll.u32 s1, $0xD;
	s1 =	sshrl.u32 s1, $0x2  }
0xbe: {  	s3 =	sand.u32 $0x4000, s31;
	s1 =	sadd.s32 s1, s30  }
0xbf: {  	s0 =	sor.u32 s3, s0;
	s1 =	sshll.u32 s1, $0x11  }
0xc0: {  	s0 =	sor.u32 s1, s0  }
0xc1: {  	s0 =	sadd.s32 $0x8F2B, s0  }
0xc2: {  	[sflag:s0] =	ssyncadd.remote.s32 $0x1  }
0xc3: {  	_ =	sfence.sel $0xFFFF  }
0xc4: {  	[dreg:$0x0] =	wrdreg $0xFFFFFFFF;
	(pc) =	sbr.abs _section_cstart, $3  }
0xc5: {  	[dreg:$0x1] =	wrdreg $0xFFFFFFFF  }
0xc6: {  	_ =	task.clear_ibuf [dreg:s10], $0x2FFFF;
	_ =	strace $0x9FFFFFFF  }
0xc7: {  	(tm) =	ssettm $0x7FFFFFFF  }
tec
execute0_lowered:
.L_overlay_start_1:
0x0: {  	(tag) =	ssettag $0x1  }
0x1: {  	s0 =	rddreg [dreg:$0x0]  }
0x2: {  	s1 =	rddreg [dreg:$0x1]  }
0x3: {  	s2 =	srdreg.scid;
	s4 =	rddreg [dreg:$0x2]  }
0x4: {  	s3 =	stileid.u32;
	s9 =	rddreg [dreg:$0x3]  }
0x5: {  	s15 =	simm.s32 $0x80;
	s16 =	simm.s32 $0x100;
	s17 =	simm.s32 $0x180  }
0x6: {  	s18 =	simm.s32 $0x2;
	s19 =	simm.s32 $0x40;
	s20 =	simm.s32 $0x2200  }
0x7: {  	s21 =	simm.s32 $0x4200;
	s22 =	simm.s32 $0x6200;
	s28 =	simm.s32 $0x5  }
0x8: {  	s29 =	simm.s32 $0x6;
	s30 =	simm.s32 $0x7;
	s2 =	sand.u32 $0x1, s2  }
0x9: {  	s31 =	simm.s32 $0x0;
	s3 =	sshll.u32 s3, $0x7;
	s5 =	sshll.u32 s2, $0x6  }
0xa: {  	s2 =	ssub.s32 $0x2, s2;
	s6 =	sor.u32 s5, s3;
	s3 =	simm.s32 $0x0  }
0xb: {  	s8 =	sshrl.u32 s2, $0x1;
	s7 =	sshll.u32 s6, $0x2;
	[smem:$0x7FF] =	sst s3  }
0xc: {  	s2 =	ssub.s32 s2, s8;
	s24 =	sshll.u32 s6, $0x4;
	s10 =	sand.u32 $0x1E00, s7  }
0xd: {  	_ =	strace $0x80000047;
	s7 =	sor.u32 s5, s7;
	s4 =	sadd.s32 s4, s24  }
0xe: {  	s9 =	sadd.s32 s9, s24;
	s13 =	smax.u32 s2, $0x1;
	s24 =	simm.s32 $0x1  }
0xf: {  	s23 =	sor.u32 s5, s10;
	s7 =	sshrl.u32 s7, $0x3;
	s10 =	sadd.s32 $0x8000, s9  }
0x10: {  	s12 =	sadd.s32 $0x18000, s9;
	s25 =	sshrl.u32 s23, $0x3;
	s26 =	sor.u32 $0x20, s7  }
0x11: {  	s11 =	sor.u32 $0x30, s7;
	s23 =	simm.s32 $0x8200;
	s5 =	sadd.s32 s0, s25  }
0x12: {  	s7 =	sadd.s32 s0, s26;
	s8 =	sadd.s32 s0, s11;
	s11 =	sadd.s32 $0x10000, s9  }
0x13: {  	s25 =	simm.s32 $0x3;
	s26 =	simm.s32 $0x4;
	s6 =	sadd.s32 $0x10, s5  }
.LBB2_1:
0x14: {  	s0 =	simm.s32 $0x200  }
0x15: {  	[tilespmem:s0], [sflag:$0x1] =	stream.linear.gather [hbm4b:s4+s3], $0x2000, $0x38;
	[tilespmem:$0xA200] =	vst v63  }
0x16: {  	_ = 	snop  }
0x17: {  	[tilespmem:s3], [sflag:$0x2] =	stream.linear.gather [hbm4b:s5+s3], $0x40, $0x38;
	[tilespmem:$0xA200] =	vst v63  }
0x18: {  	_ = 	snop  }
0x19: {  	[tilespmem:s15], [sflag:$0x2] =	stream.linear.gather [hbm4b:s6+s3], $0x40, $0x38;
	[tilespmem:$0xA200] =	vst v63  }
0x1a: {  	_ = 	snop  }
0x1b: {  	[tilespmem:s16], [sflag:$0x2] =	stream.linear.gather [hbm4b:s7+s3], $0x40, $0x38;
	[tilespmem:$0xA200] =	vst v63  }
0x1c: {  	_ = 	snop  }
0x1d: {  	[tilespmem:s17], [sflag:$0x2] =	stream.linear.gather [hbm4b:s8+s3], $0x40, $0x38;
	[tilespmem:$0xA200] =	vst v63  }
0x1e: {  	_ =	swait.ge [sflag:s18], $0x40  }
0x1f: {  	[sflag:s18] =	ssyncset.done $0x0  }
0x20: {  	[sflag:s18] =	ssyncadd.s32 $0xFFFFFFC0  }
0x21: {  	_ =	swait.ge [sflag:s18], $0x40  }
0x22: {  	[sflag:s18] =	ssyncset.done $0x0  }
0x23: {  	[sflag:s18] =	ssyncadd.s32 $0xFFFFFFC0  }
0x24: {  	_ =	swait.ge [sflag:s18], $0x40  }
0x25: {  	[sflag:s18] =	ssyncset.done $0x0  }
0x26: {  	[sflag:s18] =	ssyncadd.s32 $0xFFFFFFC0  }
0x27: {  	_ =	swait.ge [sflag:s18], $0x40  }
0x28: {  	[sflag:s18] =	ssyncset.done $0x0  }
0x29: {  	[sflag:s18] =	ssyncadd.s32 $0xFFFFFFC0  }
0x2a: {  	[tilespmem:s20], [sflag:$0x3] =	stream.indirect.gather [hbm4b:s1+s19], $0x80, s3, s19, $0xb8;
	[tilespmem:$0xA200] =	vst v63  }
0x2b: {  	_ = 	snop  }
0x2c: {  	[tilespmem:s21], [sflag:$0x4] =	stream.indirect.gather [hbm4b:s1+s19], $0x80, s15, s19, $0xb8;
	[tilespmem:$0xA200] =	vst v63  }
0x2d: {  	_ = 	snop  }
0x2e: {  	[tilespmem:s22], [sflag:$0x5] =	stream.indirect.gather [hbm4b:s1+s19], $0x80, s16, s19, $0xb8;
	[tilespmem:$0xA200] =	vst v63  }
0x2f: {  	_ = 	snop  }
0x30: {  	[tilespmem:s23], [sflag:$0x6] =	stream.indirect.gather [hbm4b:s1+s19], $0x80, s17, s19, $0xb8;
	[tilespmem:$0xA200] =	vst v63  }
0x31: {  	_ =	swait.ge [sflag:s24], $0x2000  }
0x32: {  	[sflag:s24] =	ssyncset.done $0x0  }
0x33: {  	[sflag:s24] =	ssyncadd.s32 $0xFFFFE000  }
0x34: {  	_ =	swait.ge [sflag:s25], $0x2000  }
0x35: {  	[sflag:s25] =	ssyncset.done $0x0  }
0x36: {  	s2 =	simm.s32 $0x0;
	[sflag:s25] =	ssyncadd.s32 $0xFFFFE000  }
0x37: {  	v7 =	vld [tilespmem:s2+$0x200]  }
0x38: {  	v11 =	vld [tilespmem:s2+$0x210]  }
0x39: {  	v5 =	vld [tilespmem:s2+$0x220]  }
0x3a: {  	v4 =	vld [tilespmem:s2+$0x230]  }
0x3b: {  	v3 =	vld [tilespmem:s2+$0x240]  }
0x3c: {  	v2 =	vld [tilespmem:s2+$0x250]  }
0x3d: {  	v1 =	vld [tilespmem:s2+$0x260]  }
0x3e: {  	v0 =	vld [tilespmem:s2+$0x270]  }
0x3f: {  	v12 =	vld [tilespmem:s2+$0x2200]  }
0x40: {  	v13 =	vld [tilespmem:s2+$0x2210]  }
0x41: {  	v10 =	vld [tilespmem:s2+$0x2220]  }
0x42: {  	v9 =	vld [tilespmem:s2+$0x2230]  }
0x43: {  	v8 =	vld [tilespmem:s2+$0x2240]  }
0x44: {  	v6 =	vld [tilespmem:s2+$0x2250];
	v12 =	vadd.f32 v7, v12  }
0x45: {  	s0 =	simm.s32 $0x200;
	v11 =	vadd.f32 v11, v13;
	v7 =	vld [tilespmem:s2+$0x2260]  }
.LBB2_2:
0x46: {  	s14 =	sshra.s32 s0, $0x2;
	p0 =	sne.s32 s0, $0x7E00;
	[tilespmem:s2+$0x2200] =	vst v12;
	v5 =	vadd.f32 v5, v10;
	v10 =	vld [tilespmem:s2+$0x2270]  }
0x47: {  	v12 =	vld [tilespmem:s14+$0x200];
	[tilespmem:s2+$0x2210] =	vst v11;
	v4 =	vadd.f32 v4, v9  }
0x48: {  	v11 =	vld [tilespmem:s14+$0x210];
	[tilespmem:s2+$0x2220] =	vst v5;
	v3 =	vadd.f32 v3, v8  }
0x49: {  	v5 =	vld [tilespmem:s14+$0x220];
	[tilespmem:s2+$0x2230] =	vst v4;
	v2 =	vadd.f32 v2, v6  }
0x4a: {  	v4 =	vld [tilespmem:s14+$0x230];
	[tilespmem:s2+$0x2240] =	vst v3;
	v1 =	vadd.f32 v1, v7  }
0x4b: {  	v3 =	vld [tilespmem:s14+$0x240];
	[tilespmem:s2+$0x2250] =	vst v2;
	v0 =	vadd.f32 v0, v10  }
0x4c: {  	v2 =	vld [tilespmem:s14+$0x250];
	[tilespmem:s2+$0x2260] =	vst v1  }
0x4d: {  	v1 =	vld [tilespmem:s14+$0x260];
	[tilespmem:s2+$0x2270] =	vst v0;
	s2 =	smov.u32 s14  }
0x4e: {  	v0 =	vld [tilespmem:s2+$0x270]  }
0x4f: {  	v6 =	vld [tilespmem:s2+$0x2200]  }
0x50: {  	v7 =	vld [tilespmem:s2+$0x2210]  }
.Ltmp0:
0x51: {  	v10 =	vld [tilespmem:s2+$0x2220];
	(pc) =	sbr.rel @p0 .LBB2_2-.Ltmp0, $4  }
0x52: {  	v9 =	vld [tilespmem:s2+$0x2230]  }
0x53: {  	v8 =	vld [tilespmem:s2+$0x2240]  }
0x54: {  	v12 =	vadd.f32 v12, v6;
	v6 =	vld [tilespmem:s2+$0x2250]  }
0x55: {  	s0 =	sadd.s32 $0x200, s0;
	v11 =	vadd.f32 v11, v7;
	v7 =	vld [tilespmem:s2+$0x2260]  }
0x56: {  	[tilespmem:s2+$0x2200] =	vst v12;
	v5 =	vadd.f32 v5, v10;
	v10 =	vld [tilespmem:s2+$0x2270]  }
0x57: {  	[tilespmem:s2+$0x2210] =	vst v11;
	v4 =	vadd.f32 v4, v9  }
0x58: {  	[tilespmem:s2+$0x2220] =	vst v5;
	v3 =	vadd.f32 v3, v8  }
0x59: {  	[tilespmem:s2+$0x2230] =	vst v4;
	v2 =	vadd.f32 v2, v6  }
0x5a: {  	[tilespmem:s2+$0x2240] =	vst v3;
	v1 =	vadd.f32 v1, v7  }
0x5b: {  	[tilespmem:s2+$0x2250] =	vst v2;
	v0 =	vadd.f32 v0, v10  }
0x5c: {  	[tilespmem:s2+$0x2260] =	vst v1  }
0x5d: {  	s0 =	simm.s32 $0x0;
	[tilespmem:s2+$0x2270] =	vst v0  }
0x5e: {  	[hbm4b:s9+s0] =	stream.linear.scatter [tilespmem:s20], [sflag:$0x7], $0x2000, $0x38;
	[tilespmem:$0xA200] =	vst v63  }
0x5f: {  	_ =	swait.ge [sflag:s26], $0x2000  }
0x60: {  	[sflag:s26] =	ssyncset.done $0x0  }
0x61: {  	s2 =	simm.s32 $0x0;
	[sflag:s26] =	ssyncadd.s32 $0xFFFFE000  }
0x62: {  	v7 =	vld [tilespmem:s2+$0x200]  }
0x63: {  	v11 =	vld [tilespmem:s2+$0x210]  }
0x64: {  	v5 =	vld [tilespmem:s2+$0x220]  }
0x65: {  	v4 =	vld [tilespmem:s2+$0x230]  }
0x66: {  	v3 =	vld [tilespmem:s2+$0x240]  }
0x67: {  	v2 =	vld [tilespmem:s2+$0x250]  }
0x68: {  	v1 =	vld [tilespmem:s2+$0x260]  }
0x69: {  	v0 =	vld [tilespmem:s2+$0x270]  }
0x6a: {  	v12 =	vld [tilespmem:s2+$0x4200]  }
0x6b: {  	v13 =	vld [tilespmem:s2+$0x4210]  }
0x6c: {  	v10 =	vld [tilespmem:s2+$0x4220]  }
0x6d: {  	v9 =	vld [tilespmem:s2+$0x4230]  }
0x6e: {  	v8 =	vld [tilespmem:s2+$0x4240]  }
0x6f: {  	v6 =	vld [tilespmem:s2+$0x4250];
	v12 =	vadd.f32 v7, v12  }
0x70: {  	s0 =	simm.s32 $0x200;
	v11 =	vadd.f32 v11, v13;
	v7 =	vld [tilespmem:s2+$0x4260]  }
.LBB2_4:
0x71: {  	s14 =	sshra.s32 s0, $0x2;
	p0 =	sne.s32 s0, $0x7E00;
	[tilespmem:s2+$0x4200] =	vst v12;
	v5 =	vadd.f32 v5, v10;
	v10 =	vld [tilespmem:s2+$0x4270]  }
0x72: {  	v12 =	vld [tilespmem:s14+$0x200];
	[tilespmem:s2+$0x4210] =	vst v11;
	v4 =	vadd.f32 v4, v9  }
0x73: {  	v11 =	vld [tilespmem:s14+$0x210];
	[tilespmem:s2+$0x4220] =	vst v5;
	v3 =	vadd.f32 v3, v8  }
0x74: {  	v5 =	vld [tilespmem:s14+$0x220];
	[tilespmem:s2+$0x4230] =	vst v4;
	v2 =	vadd.f32 v2, v6  }
0x75: {  	v4 =	vld [tilespmem:s14+$0x230];
	[tilespmem:s2+$0x4240] =	vst v3;
	v1 =	vadd.f32 v1, v7  }
0x76: {  	v3 =	vld [tilespmem:s14+$0x240];
	[tilespmem:s2+$0x4250] =	vst v2;
	v0 =	vadd.f32 v0, v10  }
0x77: {  	v2 =	vld [tilespmem:s14+$0x250];
	[tilespmem:s2+$0x4260] =	vst v1  }
0x78: {  	v1 =	vld [tilespmem:s14+$0x260];
	[tilespmem:s2+$0x4270] =	vst v0;
	s2 =	smov.u32 s14  }
0x79: {  	v0 =	vld [tilespmem:s2+$0x270]  }
0x7a: {  	v6 =	vld [tilespmem:s2+$0x4200]  }
0x7b: {  	v7 =	vld [tilespmem:s2+$0x4210]  }
.Ltmp1:
0x7c: {  	v10 =	vld [tilespmem:s2+$0x4220];
	(pc) =	sbr.rel @p0 .LBB2_4-.Ltmp1, $4  }
0x7d: {  	v9 =	vld [tilespmem:s2+$0x4230]  }
0x7e: {  	v8 =	vld [tilespmem:s2+$0x4240]  }
0x7f: {  	v12 =	vadd.f32 v12, v6;
	v6 =	vld [tilespmem:s2+$0x4250]  }
0x80: {  	s0 =	sadd.s32 $0x200, s0;
	v11 =	vadd.f32 v11, v7;
	v7 =	vld [tilespmem:s2+$0x4260]  }
0x81: {  	[tilespmem:s2+$0x4200] =	vst v12;
	v5 =	vadd.f32 v5, v10;
	v10 =	vld [tilespmem:s2+$0x4270]  }
0x82: {  	[tilespmem:s2+$0x4210] =	vst v11;
	v4 =	vadd.f32 v4, v9  }
0x83: {  	[tilespmem:s2+$0x4220] =	vst v5;
	v3 =	vadd.f32 v3, v8  }
0x84: {  	[tilespmem:s2+$0x4230] =	vst v4;
	v2 =	vadd.f32 v2, v6  }
0x85: {  	[tilespmem:s2+$0x4240] =	vst v3;
	v1 =	vadd.f32 v1, v7  }
0x86: {  	[tilespmem:s2+$0x4250] =	vst v2;
	v0 =	vadd.f32 v0, v10  }
0x87: {  	[tilespmem:s2+$0x4260] =	vst v1  }
0x88: {  	s0 =	simm.s32 $0x0;
	[tilespmem:s2+$0x4270] =	vst v0  }
0x89: {  	[hbm4b:s10+s0] =	stream.linear.scatter [tilespmem:s21], [sflag:$0x7], $0x2000, $0x38;
	[tilespmem:$0xA200] =	vst v63  }
0x8a: {  	_ =	swait.ge [sflag:s28], $0x2000  }
0x8b: {  	[sflag:s28] =	ssyncset.done $0x0  }
0x8c: {  	s2 =	simm.s32 $0x0;
	[sflag:s28] =	ssyncadd.s32 $0xFFFFE000  }
0x8d: {  	v7 =	vld [tilespmem:s2+$0x200]  }
0x8e: {  	v11 =	vld [tilespmem:s2+$0x210]  }
0x8f: {  	v5 =	vld [tilespmem:s2+$0x220]  }
0x90: {  	v4 =	vld [tilespmem:s2+$0x230]  }
0x91: {  	v3 =	vld [tilespmem:s2+$0x240]  }
0x92: {  	v2 =	vld [tilespmem:s2+$0x250]  }
0x93: {  	v1 =	vld [tilespmem:s2+$0x260]  }
0x94: {  	v0 =	vld [tilespmem:s2+$0x270]  }
0x95: {  	v12 =	vld [tilespmem:s2+$0x6200]  }
0x96: {  	v13 =	vld [tilespmem:s2+$0x6210]  }
0x97: {  	v10 =	vld [tilespmem:s2+$0x6220]  }
0x98: {  	v9 =	vld [tilespmem:s2+$0x6230]  }
0x99: {  	v8 =	vld [tilespmem:s2+$0x6240]  }
0x9a: {  	v6 =	vld [tilespmem:s2+$0x6250];
	v12 =	vadd.f32 v7, v12  }
0x9b: {  	s0 =	simm.s32 $0x200;
	v11 =	vadd.f32 v11, v13;
	v7 =	vld [tilespmem:s2+$0x6260]  }
.LBB2_6:
0x9c: {  	s14 =	sshra.s32 s0, $0x2;
	p0 =	sne.s32 s0, $0x7E00;
	[tilespmem:s2+$0x6200] =	vst v12;
	v5 =	vadd.f32 v5, v10;
	v10 =	vld [tilespmem:s2+$0x6270]  }
0x9d: {  	v12 =	vld [tilespmem:s14+$0x200];
	[tilespmem:s2+$0x6210] =	vst v11;
	v4 =	vadd.f32 v4, v9  }
0x9e: {  	v11 =	vld [tilespmem:s14+$0x210];
	[tilespmem:s2+$0x6220] =	vst v5;
	v3 =	vadd.f32 v3, v8  }
0x9f: {  	v5 =	vld [tilespmem:s14+$0x220];
	[tilespmem:s2+$0x6230] =	vst v4;
	v2 =	vadd.f32 v2, v6  }
0xa0: {  	v4 =	vld [tilespmem:s14+$0x230];
	[tilespmem:s2+$0x6240] =	vst v3;
	v1 =	vadd.f32 v1, v7  }
0xa1: {  	v3 =	vld [tilespmem:s14+$0x240];
	[tilespmem:s2+$0x6250] =	vst v2;
	v0 =	vadd.f32 v0, v10  }
0xa2: {  	v2 =	vld [tilespmem:s14+$0x250];
	[tilespmem:s2+$0x6260] =	vst v1  }
0xa3: {  	v1 =	vld [tilespmem:s14+$0x260];
	[tilespmem:s2+$0x6270] =	vst v0;
	s2 =	smov.u32 s14  }
0xa4: {  	v0 =	vld [tilespmem:s2+$0x270]  }
0xa5: {  	v6 =	vld [tilespmem:s2+$0x6200]  }
0xa6: {  	v7 =	vld [tilespmem:s2+$0x6210]  }
.Ltmp2:
0xa7: {  	v10 =	vld [tilespmem:s2+$0x6220];
	(pc) =	sbr.rel @p0 .LBB2_6-.Ltmp2, $4  }
0xa8: {  	v9 =	vld [tilespmem:s2+$0x6230]  }
0xa9: {  	v8 =	vld [tilespmem:s2+$0x6240]  }
0xaa: {  	v12 =	vadd.f32 v12, v6;
	v6 =	vld [tilespmem:s2+$0x6250]  }
0xab: {  	s0 =	sadd.s32 $0x200, s0;
	v11 =	vadd.f32 v11, v7;
	v7 =	vld [tilespmem:s2+$0x6260]  }
0xac: {  	[tilespmem:s2+$0x6200] =	vst v12;
	v5 =	vadd.f32 v5, v10;
	v10 =	vld [tilespmem:s2+$0x6270]  }
0xad: {  	[tilespmem:s2+$0x6210] =	vst v11;
	v4 =	vadd.f32 v4, v9  }
0xae: {  	[tilespmem:s2+$0x6220] =	vst v5;
	v3 =	vadd.f32 v3, v8  }
0xaf: {  	[tilespmem:s2+$0x6230] =	vst v4;
	v2 =	vadd.f32 v2, v6  }
0xb0: {  	[tilespmem:s2+$0x6240] =	vst v3;
	v1 =	vadd.f32 v1, v7  }
0xb1: {  	[tilespmem:s2+$0x6250] =	vst v2;
	v0 =	vadd.f32 v0, v10  }
0xb2: {  	[tilespmem:s2+$0x6260] =	vst v1  }
0xb3: {  	s0 =	simm.s32 $0x0;
	[tilespmem:s2+$0x6270] =	vst v0  }
0xb4: {  	[hbm4b:s11+s0] =	stream.linear.scatter [tilespmem:s22], [sflag:$0x7], $0x2000, $0x38;
	[tilespmem:$0xA200] =	vst v63  }
0xb5: {  	_ =	swait.ge [sflag:s29], $0x2000  }
0xb6: {  	[sflag:s29] =	ssyncset.done $0x0  }
0xb7: {  	s2 =	simm.s32 $0x0;
	[sflag:s29] =	ssyncadd.s32 $0xFFFFE000  }
0xb8: {  	v7 =	vld [tilespmem:s2+$0x200]  }
0xb9: {  	v11 =	vld [tilespmem:s2+$0x210]  }
0xba: {  	v5 =	vld [tilespmem:s2+$0x220]  }
0xbb: {  	v4 =	vld [tilespmem:s2+$0x230]  }
0xbc: {  	v3 =	vld [tilespmem:s2+$0x240]  }
0xbd: {  	v2 =	vld [tilespmem:s2+$0x250]  }
0xbe: {  	v1 =	vld [tilespmem:s2+$0x260]  }
0xbf: {  	v0 =	vld [tilespmem:s2+$0x270]  }
0xc0: {  	v12 =	vld [tilespmem:s2+$0x8200]  }
0xc1: {  	v13 =	vld [tilespmem:s2+$0x8210]  }
0xc2: {  	v10 =	vld [tilespmem:s2+$0x8220]  }
0xc3: {  	v9 =	vld [tilespmem:s2+$0x8230]  }
0xc4: {  	v8 =	vld [tilespmem:s2+$0x8240]  }
0xc5: {  	v6 =	vld [tilespmem:s2+$0x8250];
	v12 =	vadd.f32 v7, v12  }
0xc6: {  	s0 =	simm.s32 $0x200;
	v11 =	vadd.f32 v11, v13;
	v7 =	vld [tilespmem:s2+$0x8260]  }
.LBB2_8:
0xc7: {  	s14 =	sshra.s32 s0, $0x2;
	p0 =	sne.s32 s0, $0x7E00;
	[tilespmem:s2+$0x8200] =	vst v12;
	v5 =	vadd.f32 v5, v10;
	v10 =	vld [tilespmem:s2+$0x8270]  }
0xc8: {  	v12 =	vld [tilespmem:s14+$0x200];
	[tilespmem:s2+$0x8210] =	vst v11;
	v4 =	vadd.f32 v4, v9  }
0xc9: {  	v11 =	vld [tilespmem:s14+$0x210];
	[tilespmem:s2+$0x8220] =	vst v5;
	v3 =	vadd.f32 v3, v8  }
0xca: {  	v5 =	vld [tilespmem:s14+$0x220];
	[tilespmem:s2+$0x8230] =	vst v4;
	v2 =	vadd.f32 v2, v6  }
0xcb: {  	v4 =	vld [tilespmem:s14+$0x230];
	[tilespmem:s2+$0x8240] =	vst v3;
	v1 =	vadd.f32 v1, v7  }
0xcc: {  	v3 =	vld [tilespmem:s14+$0x240];
	[tilespmem:s2+$0x8250] =	vst v2;
	v0 =	vadd.f32 v0, v10  }
0xcd: {  	v2 =	vld [tilespmem:s14+$0x250];
	[tilespmem:s2+$0x8260] =	vst v1  }
0xce: {  	v1 =	vld [tilespmem:s14+$0x260];
	[tilespmem:s2+$0x8270] =	vst v0;
	s2 =	smov.u32 s14  }
0xcf: {  	v0 =	vld [tilespmem:s2+$0x270]  }
0xd0: {  	v6 =	vld [tilespmem:s2+$0x8200]  }
0xd1: {  	v7 =	vld [tilespmem:s2+$0x8210]  }
.Ltmp3:
0xd2: {  	v10 =	vld [tilespmem:s2+$0x8220];
	(pc) =	sbr.rel @p0 .LBB2_8-.Ltmp3, $4  }
0xd3: {  	v9 =	vld [tilespmem:s2+$0x8230]  }
0xd4: {  	v8 =	vld [tilespmem:s2+$0x8240]  }
0xd5: {  	v12 =	vadd.f32 v12, v6;
	v6 =	vld [tilespmem:s2+$0x8250]  }
0xd6: {  	s0 =	sadd.s32 $0x200, s0;
	v11 =	vadd.f32 v11, v7;
	v7 =	vld [tilespmem:s2+$0x8260]  }
0xd7: {  	[tilespmem:s2+$0x8200] =	vst v12;
	v5 =	vadd.f32 v5, v10;
	v63 =	vld [tilespmem:s2+$0x8270]  }
0xd8: {  	[tilespmem:s2+$0x8210] =	vst v11;
	v4 =	vadd.f32 v4, v9  }
0xd9: {  	[tilespmem:s2+$0x8220] =	vst v5;
	v3 =	vadd.f32 v3, v8  }
0xda: {  	[tilespmem:s2+$0x8230] =	vst v4;
	v2 =	vadd.f32 v2, v6  }
0xdb: {  	[tilespmem:s2+$0x8240] =	vst v3;
	v1 =	vadd.f32 v1, v7  }
0xdc: {  	[tilespmem:s2+$0x8250] =	vst v2;
	v0 =	vadd.f32 v0, v63  }
0xdd: {  	[tilespmem:s2+$0x8260] =	vst v1  }
0xde: {  	[tilespmem:s2+$0x8270] =	vst v0  }
0xdf: {  	[hbm4b:s12+s3] =	stream.linear.scatter [tilespmem:s23], [sflag:$0x7], $0x2000, $0x38;
	[tilespmem:$0xA200] =	vst v63  }
0xe0: {  	_ =	swait.ge [sflag:s30], $0x2000  }
0xe1: {  	[sflag:s30] =	ssyncset.done $0x0  }
0xe2: {  	[sflag:s30] =	ssyncadd.s32 $0xFFFFE000  }
0xe3: {  	_ =	swait.ge [sflag:s30], $0x2000  }
0xe4: {  	[sflag:s30] =	ssyncset.done $0x0  }
0xe5: {  	s31 =	sadd.s32 $0x1, s31;
	[sflag:s30] =	ssyncadd.s32 $0xFFFFE000  }
0xe6: {  	p0 =	sne.s32 s31, s13;
	_ =	swait.ge [sflag:s30], $0x2000  }
.Ltmp4:
0xe7: {  	[sflag:s30] =	ssyncset.done $0x0;
	(pc) =	sbr.rel @p0 .LBB2_1-.Ltmp4, $4  }
0xe8: {  	[sflag:s30] =	ssyncadd.s32 $0xFFFFE000  }
0xe9: {  	_ =	swait.ge [sflag:s30], $0x2000  }
0xea: {  	[sflag:s30] =	ssyncset.done $0x0  }
0xeb: {  	[sflag:s30] =	ssyncadd.s32 $0xFFFFE000  }
0xec: {  	_ =	sfence.sel $0x180000  }
0xed: {  	[bflag:$0x0] =	sbarrier.arrive $0xFFFF  }
0xee: {  	_ =	strace $0x90000047  }
0xef: {  	s0 =	stileid.u32;
	[bflag:$0x2] =	sbarrier.arrive $0xFFFF  }
0xf0: {  	p0 =	sne.s32 s0, $0x0;
	s0 =	rddreg [dreg:$0x4]  }
0xf1: {  	s0 =	sadd.s32 @!p0 $0x100000, s0  }
0xf2: {  	[sflag:s0] =	ssyncadd.tile.s32 @!p0 $0x1;
	_ =	shalt  }
.Lfunc_end2:
_tile_overlayer_lowered:
.L_overlay_start_2:
0xf3: {  	(tag) =	ssettag $0x2  }
0xf4: {  	s0 =	rddreg [dreg:$0x0];
	s2 =	stileid.u32  }
0xf5: {  	s1 =	rddreg [dreg:$0x1];
	p0 =	sne.s32 s2, $0x0  }
0xf6: {  	s3 =	rddreg [dreg:$0x2];
	[bflag:$0x3] =	sbarrier.arrive $0xFFFF;
	s2 =	simm.s32 @!p0 $0x1C08  }
0xf7: {  	[timem:s3], [sflag:s2] =	dma.local @!p0 [hbm:s0], s1  }
0xf8: {  	s0 =	simm.s32 @!p0 $0x8  }
0xf9: {  	_ =	swait.ge @!p0 [sflag:s0], s1  }
0xfa: {  	s1 =	ssub.s32 @!p0 $0x0, s1;
	[sflag:s0] =	ssyncset.done @!p0 $0x0  }
0xfb: {  	[sflag:s0] =	ssyncadd.s32 @!p0 s1  }
0xfc: {  	[bflag:$0x3] =	sbarrier.arrive $0xFFFF  }
0xfd: {  	_ =	shalt  }

</sc_bundles>
